<compile_context>
chip_gen: v7x
topology: tpu7x:2x2x1
jax: 0.10.2.dev20260603
libtpu: 0.0.44.dev20260713+nightly
codegen_flags: <defaults>
</compile_context>

<pallas_src>
import jax
import jax.numpy as jnp
from jax import lax
from jax.experimental import pallas as pl
from jax.experimental.pallas import tpu as pltpu
from jax.experimental.pallas import tpu_sc as plsc

NUM_TOTEMS = 1000000
POS_DIM = 16
BATCH = 16384

_NC = 2
_NS = 16
_NW = _NC * _NS
_BPW = BATCH // _NW
_L = 16
_CHUNK = 256
_NCHUNK = _BPW // _CHUNK


def _tile_body(idx_hbm, tblA, tblB, outT, idx_v, row0, row1, rA, rB, o_v,
               sems):
    wid = lax.axis_index("s") * _NC + lax.axis_index("c")
    base = wid * _BPW
    pltpu.sync_copy(idx_hbm.at[pl.ds(base, _BPW)], idx_v)

    row_bufs = (row0, row1)

    def fill_rows(k, carry):
        for chunk in range(_NCHUNK):
            r = idx_v[pl.ds(chunk * _CHUNK + k * _L, _L)]
            row_bufs[chunk][pl.ds(k * _L, _L)] = r >> 3
        return carry

    lax.fori_loop(0, _CHUNK // _L, fill_rows, 0, unroll=4)

    lanes = lax.iota(jnp.int32, _L)
    for chunk in range(_NCHUNK):
        cpA = pltpu.async_copy(tblA.at[row_bufs[chunk]], rA, sems.at[0])
        cpB = pltpu.async_copy(tblB.at[row_bufs[chunk]], rB, sems.at[1])
        cpA.wait()
        cpB.wait()

        def extract(g, carry):
            ids = idx_v[pl.ds(chunk * _CHUNK + g * _L, _L)]
            lane0 = (ids & 7) * 16
            rows = lanes + g * _L
            for c in range(POS_DIM):
                vals = plsc.load_gather(rA, [rows, lane0 + c])
                vals = vals + plsc.load_gather(rB, [rows, lane0 + c])
                o_v[c, pl.ds(chunk * _CHUNK + g * _L, _L)] = vals
            return carry

        lax.fori_loop(0, _CHUNK // _L, extract, 0, unroll=2)

    pltpu.sync_copy(o_v, outT.at[:, pl.ds(base, _BPW)])


@jax.jit
def _lookup(totem_id, tblA, tblB):
    mesh = plsc.VectorSubcoreMesh(core_axis_name="c", subcore_axis_name="s")
    outT = pl.kernel(
        _tile_body,
        mesh=mesh,
        compiler_params=pltpu.CompilerParams(needs_layout_passes=False),
        out_type=jax.ShapeDtypeStruct((POS_DIM, BATCH), jnp.float32),
        scratch_types=[
            pltpu.VMEM((_BPW,), jnp.int32),
            pltpu.VMEM((_CHUNK,), jnp.int32),
            pltpu.VMEM((_CHUNK,), jnp.int32),
            pltpu.VMEM((_CHUNK, 128), jnp.float32),
            pltpu.VMEM((_CHUNK, 128), jnp.float32),
            pltpu.VMEM((POS_DIM, _BPW), jnp.float32),
            pltpu.SemaphoreType.DMA((2,)),
        ],
    )(totem_id, tblA, tblB)
    return outT.T


def kernel(totem_id, init_totem_pos, totem_pos_residual):
    tblA = init_totem_pos.reshape(NUM_TOTEMS * POS_DIM // 128, 128)
    tblB = totem_pos_residual.reshape(NUM_TOTEMS * POS_DIM // 128, 128)
    return _lookup(totem_id.astype(jnp.int32), tblA, tblB)

# --- scband reference (transcript-rebuilt; emitter-appended) ---
"""Pipeline reference for scband-learn-totem-pos-46995532152932 (READ-ONLY COPY).

The authoritative reference and input builder live on the scoring server;
editing this copy changes nothing except your own understanding.
"""

import jax, jax.numpy as jnp
import numpy as np

NUM_TOTEMS = 1000000
POS_DIM = 16
BATCH = 16384


def setup_inputs(seed: int = 0) -> dict:
    key = jax.random.key(seed)
    k1, k2, k3 = jax.random.split(key, 3)
    totem_id = jax.random.randint(k1, (BATCH,), 0, NUM_TOTEMS, dtype=jnp.int64 if jax.config.jax_enable_x64 else jnp.int32)
    init_totem_pos = jax.random.normal(k2, (NUM_TOTEMS, POS_DIM), dtype=jnp.float32)
    totem_pos_residual = 0.01 * jax.random.normal(k3, (NUM_TOTEMS, POS_DIM), dtype=jnp.float32)
    return {
        "totem_id": totem_id,
        "init_totem_pos": init_totem_pos,
        "totem_pos_residual": totem_pos_residual,
    }


def reference(totem_id, init_totem_pos, totem_pos_residual):
    # totem_pos = self.init_totem_pos[totem_id] + self.totem_pos_residual[totem_id]
    totem_pos = jnp.take(init_totem_pos, totem_id, axis=0) + jnp.take(totem_pos_residual, totem_id, axis=0)
    return totem_pos

if __name__ == "__main__":
    import jax
    _d = setup_inputs()
    print(jax.jit(kernel)(*tuple(_d.values())))

</pallas_src>

<mosaic_0001>
#map = affine_map<(d0, d1) -> (0)>
#map1 = affine_map<(d0, d1) -> (0, 0)>
module attributes {stable_mosaic.version = 14 : i64} {
  func.func @_tile_body(%arg0: i32, %arg1: i32, %arg2: memref<16384xi32, #tpu.memory_space<hbm>>, %arg3: memref<125000x128xf32, #tpu.memory_space<hbm>>, %arg4: memref<125000x128xf32, #tpu.memory_space<hbm>>, %arg5: memref<16x16384xf32, #tpu.memory_space<hbm>>, %arg6: memref<512xi32, #tpu.memory_space<vmem>>, %arg7: memref<256xi32, #tpu.memory_space<vmem>>, %arg8: memref<256xi32, #tpu.memory_space<vmem>>, %arg9: memref<256x128xf32, #tpu.memory_space<vmem>>, %arg10: memref<256x128xf32, #tpu.memory_space<vmem>>, %arg11: memref<16x512xf32, #tpu.memory_space<vmem>>, %arg12: memref<2x!tpu.dma_semaphore, #tpu.memory_space<semaphore_mem>>) attributes {dimension_semantics = [#tpu.dimension_semantics<core_parallel>, #tpu.dimension_semantics<subcore_parallel>], iteration_bounds = array<i64: 2, 16>, scalar_prefetch = 0 : i64, scratch_operands = 7 : i64, tpu.core_type = #tpu.core_type<sc_vector_subcore>, window_params = [{transform_indices = #map}, {transform_indices = #map1}, {transform_indices = #map1}, {transform_indices = #map1}]} {
    %mul3A = arith.constant 2 : i32
    %mul3A_0 = arith.muli %arg1, %mul3A : i32
    %add3A = arith.addi %mul3A_0, %arg0 : i32
    %mul3A_1 = arith.constant 512 : i32
    %mul3A_2 = arith.muli %add3A, %mul3A_1 : i32
    "tpu.region"() ({
      %run_scoped3A = tpu.sem_alloc : memref<!tpu.dma_semaphore, #tpu.memory_space<semaphore_mem>>
      %dma_start3A_66 = tpu.memref_slice %arg2[%mul3A_2] : memref<16384xi32, #tpu.memory_space<hbm>> -> memref<512xi32, #tpu.memory_space<hbm>>
      %dma_start3A_67 = tpu.memref_slice %arg2[%mul3A_2] : memref<16384xi32, #tpu.memory_space<hbm>> -> memref<512xi32, #tpu.memory_space<hbm>>
      tpu.enqueue_dma source(%dma_start3A_67 : memref<512xi32, #tpu.memory_space<hbm>>) target(%arg6 : memref<512xi32, #tpu.memory_space<vmem>>) target_semaphore(%run_scoped3A : memref<!tpu.dma_semaphore, #tpu.memory_space<semaphore_mem>>)
      %dma_wait3A_68 = tpu.memref_slice %arg2[%mul3A_2] : memref<16384xi32, #tpu.memory_space<hbm>> -> memref<512xi32, #tpu.memory_space<hbm>>
      %dma_wait3A_69 = tpu.memref_slice %arg2[%mul3A_2] : memref<16384xi32, #tpu.memory_space<hbm>> -> memref<512xi32, #tpu.memory_space<hbm>>
      tpu.wait_dma2 semaphore(%run_scoped3A : memref<!tpu.dma_semaphore, #tpu.memory_space<semaphore_mem>>) src(%dma_wait3A_69 : memref<512xi32, #tpu.memory_space<hbm>>) dst(%arg6 : memref<512xi32, #tpu.memory_space<vmem>>)
      tpu.yield
    }) : () -> ()
    %scan3A = arith.constant 0 : i32
    %scan3A_3 = arith.constant 0 : i32
    %scan3A_4 = arith.constant 16 : i32
    %scan3A_5 = arith.addi %scan3A_3, %scan3A_4 : i32
    %scan3A_6 = arith.constant 4 : i32
    scf.for %scan3A_66 = %scan3A_3 to %scan3A_5 step %scan3A_6  : i32 {
      %mul3A_67 = arith.constant 16 : i32
      %mul3A_68 = arith.muli %scan3A_66, %mul3A_67 : i32
      %add3A_69 = arith.constant 0 : i32
      %add3A_70 = arith.addi %add3A_69, %mul3A_68 : i32
      %get3A = arith.index_cast %add3A_70 : i32 to index
      %get3A_71 = tpu.vector_load %arg6[%get3A] {strides = array<i32>} : memref<512xi32, #tpu.memory_space<vmem>>, vector<16xi32>,
      %shift_right_arithmetic3A = arith.constant 3 : i32
      %shift_right_arithmetic3A_72 = vector.broadcast %shift_right_arithmetic3A : i32 to vector<16xi32>
      %shift_right_arithmetic3A_73 = arith.shrsi %get3A_71, %shift_right_arithmetic3A_72 : vector<16xi32>
      %mul3A_74 = arith.constant 16 : i32
      %mul3A_75 = arith.muli %scan3A_66, %mul3A_74 : i32
      %swap3A = arith.index_cast %mul3A_75 : i32 to index
      %swap3A_76 = tpu.vector_load %arg7[%swap3A] {strides = array<i32>} : memref<256xi32, #tpu.memory_space<vmem>>, vector<16xi32>,
      tpu.vector_store %arg7[%swap3A], %shift_right_arithmetic3A_73 {strides = array<i32>} : memref<256xi32, #tpu.memory_space<vmem>>, vector<16xi32>,
      %mul3A_77 = arith.constant 16 : i32
      %mul3A_78 = arith.muli %scan3A_66, %mul3A_77 : i32
      %add3A_79 = arith.constant 256 : i32
      %add3A_80 = arith.addi %add3A_79, %mul3A_78 : i32
      %get3A_81 = arith.index_cast %add3A_80 : i32 to index
      %get3A_82 = tpu.vector_load %arg6[%get3A_81] {strides = array<i32>} : memref<512xi32, #tpu.memory_space<vmem>>, vector<16xi32>,
      %shift_right_arithmetic3A_83 = arith.constant 3 : i32
      %shift_right_arithmetic3A_84 = vector.broadcast %shift_right_arithmetic3A_83 : i32 to vector<16xi32>
      %shift_right_arithmetic3A_85 = arith.shrsi %get3A_82, %shift_right_arithmetic3A_84 : vector<16xi32>
      %mul3A_86 = arith.constant 16 : i32
      %mul3A_87 = arith.muli %scan3A_66, %mul3A_86 : i32
      %swap3A_88 = arith.index_cast %mul3A_87 : i32 to index
      %swap3A_89 = tpu.vector_load %arg8[%swap3A_88] {strides = array<i32>} : memref<256xi32, #tpu.memory_space<vmem>>, vector<16xi32>,
      tpu.vector_store %arg8[%swap3A_88], %shift_right_arithmetic3A_85 {strides = array<i32>} : memref<256xi32, #tpu.memory_space<vmem>>, vector<16xi32>,
      %scan3A_90 = arith.constant 1 : i32
      %scan3A_91 = arith.addi %scan3A_66, %scan3A_90 : i32
      %mul3A_92 = arith.constant 16 : i32
      %mul3A_93 = arith.muli %scan3A_91, %mul3A_92 : i32
      %add3A_94 = arith.constant 0 : i32
      %add3A_95 = arith.addi %add3A_94, %mul3A_93 : i32
      %get3A_96 = arith.index_cast %add3A_95 : i32 to index
      %get3A_97 = tpu.vector_load %arg6[%get3A_96] {strides = array<i32>} : memref<512xi32, #tpu.memory_space<vmem>>, vector<16xi32>,
      %shift_right_arithmetic3A_98 = arith.constant 3 : i32
      %shift_right_arithmetic3A_99 = vector.broadcast %shift_right_arithmetic3A_98 : i32 to vector<16xi32>
      %shift_right_arithmetic3A_100 = arith.shrsi %get3A_97, %shift_right_arithmetic3A_99 : vector<16xi32>
      %mul3A_101 = arith.constant 16 : i32
      %mul3A_102 = arith.muli %scan3A_91, %mul3A_101 : i32
      %swap3A_103 = arith.index_cast %mul3A_102 : i32 to index
      %swap3A_104 = tpu.vector_load %arg7[%swap3A_103] {strides = array<i32>} : memref<256xi32, #tpu.memory_space<vmem>>, vector<16xi32>,
      tpu.vector_store %arg7[%swap3A_103], %shift_right_arithmetic3A_100 {strides = array<i32>} : memref<256xi32, #tpu.memory_space<vmem>>, vector<16xi32>,
      %mul3A_105 = arith.constant 16 : i32
      %mul3A_106 = arith.muli %scan3A_91, %mul3A_105 : i32
      %add3A_107 = arith.constant 256 : i32
      %add3A_108 = arith.addi %add3A_107, %mul3A_106 : i32
      %get3A_109 = arith.index_cast %add3A_108 : i32 to index
      %get3A_110 = tpu.vector_load %arg6[%get3A_109] {strides = array<i32>} : memref<512xi32, #tpu.memory_space<vmem>>, vector<16xi32>,
      %shift_right_arithmetic3A_111 = arith.constant 3 : i32
      %shift_right_arithmetic3A_112 = vector.broadcast %shift_right_arithmetic3A_111 : i32 to vector<16xi32>
      %shift_right_arithmetic3A_113 = arith.shrsi %get3A_110, %shift_right_arithmetic3A_112 : vector<16xi32>
      %mul3A_114 = arith.constant 16 : i32
      %mul3A_115 = arith.muli %scan3A_91, %mul3A_114 : i32
      %swap3A_116 = arith.index_cast %mul3A_115 : i32 to index
      %swap3A_117 = tpu.vector_load %arg8[%swap3A_116] {strides = array<i32>} : memref<256xi32, #tpu.memory_space<vmem>>, vector<16xi32>,
      tpu.vector_store %arg8[%swap3A_116], %shift_right_arithmetic3A_113 {strides = array<i32>} : memref<256xi32, #tpu.memory_space<vmem>>, vector<16xi32>,
      %scan3A_118 = arith.constant 2 : i32
      %scan3A_119 = arith.addi %scan3A_66, %scan3A_118 : i32
      %mul3A_120 = arith.constant 16 : i32
      %mul3A_121 = arith.muli %scan3A_119, %mul3A_120 : i32
      %add3A_122 = arith.constant 0 : i32
      %add3A_123 = arith.addi %add3A_122, %mul3A_121 : i32
      %get3A_124 = arith.index_cast %add3A_123 : i32 to index
      %get3A_125 = tpu.vector_load %arg6[%get3A_124] {strides = array<i32>} : memref<512xi32, #tpu.memory_space<vmem>>, vector<16xi32>,
      %shift_right_arithmetic3A_126 = arith.constant 3 : i32
      %shift_right_arithmetic3A_127 = vector.broadcast %shift_right_arithmetic3A_126 : i32 to vector<16xi32>
      %shift_right_arithmetic3A_128 = arith.shrsi %get3A_125, %shift_right_arithmetic3A_127 : vector<16xi32>
      %mul3A_129 = arith.constant 16 : i32
      %mul3A_130 = arith.muli %scan3A_119, %mul3A_129 : i32
      %swap3A_131 = arith.index_cast %mul3A_130 : i32 to index
      %swap3A_132 = tpu.vector_load %arg7[%swap3A_131] {strides = array<i32>} : memref<256xi32, #tpu.memory_space<vmem>>, vector<16xi32>,
      tpu.vector_store %arg7[%swap3A_131], %shift_right_arithmetic3A_128 {strides = array<i32>} : memref<256xi32, #tpu.memory_space<vmem>>, vector<16xi32>,
      %mul3A_133 = arith.constant 16 : i32
      %mul3A_134 = arith.muli %scan3A_119, %mul3A_133 : i32
      %add3A_135 = arith.constant 256 : i32
      %add3A_136 = arith.addi %add3A_135, %mul3A_134 : i32
      %get3A_137 = arith.index_cast %add3A_136 : i32 to index
      %get3A_138 = tpu.vector_load %arg6[%get3A_137] {strides = array<i32>} : memref<512xi32, #tpu.memory_space<vmem>>, vector<16xi32>,
      %shift_right_arithmetic3A_139 = arith.constant 3 : i32
      %shift_right_arithmetic3A_140 = vector.broadcast %shift_right_arithmetic3A_139 : i32 to vector<16xi32>
      %shift_right_arithmetic3A_141 = arith.shrsi %get3A_138, %shift_right_arithmetic3A_140 : vector<16xi32>
      %mul3A_142 = arith.constant 16 : i32
      %mul3A_143 = arith.muli %scan3A_119, %mul3A_142 : i32
      %swap3A_144 = arith.index_cast %mul3A_143 : i32 to index
      %swap3A_145 = tpu.vector_load %arg8[%swap3A_144] {strides = array<i32>} : memref<256xi32, #tpu.memory_space<vmem>>, vector<16xi32>,
      tpu.vector_store %arg8[%swap3A_144], %shift_right_arithmetic3A_141 {strides = array<i32>} : memref<256xi32, #tpu.memory_space<vmem>>, vector<16xi32>,
      %scan3A_146 = arith.constant 3 : i32
      %scan3A_147 = arith.addi %scan3A_66, %scan3A_146 : i32
      %mul3A_148 = arith.constant 16 : i32
      %mul3A_149 = arith.muli %scan3A_147, %mul3A_148 : i32
      %add3A_150 = arith.constant 0 : i32
      %add3A_151 = arith.addi %add3A_150, %mul3A_149 : i32
      %get3A_152 = arith.index_cast %add3A_151 : i32 to index
      %get3A_153 = tpu.vector_load %arg6[%get3A_152] {strides = array<i32>} : memref<512xi32, #tpu.memory_space<vmem>>, vector<16xi32>,
      %shift_right_arithmetic3A_154 = arith.constant 3 : i32
      %shift_right_arithmetic3A_155 = vector.broadcast %shift_right_arithmetic3A_154 : i32 to vector<16xi32>
      %shift_right_arithmetic3A_156 = arith.shrsi %get3A_153, %shift_right_arithmetic3A_155 : vector<16xi32>
      %mul3A_157 = arith.constant 16 : i32
      %mul3A_158 = arith.muli %scan3A_147, %mul3A_157 : i32
      %swap3A_159 = arith.index_cast %mul3A_158 : i32 to index
      %swap3A_160 = tpu.vector_load %arg7[%swap3A_159] {strides = array<i32>} : memref<256xi32, #tpu.memory_space<vmem>>, vector<16xi32>,
      tpu.vector_store %arg7[%swap3A_159], %shift_right_arithmetic3A_156 {strides = array<i32>} : memref<256xi32, #tpu.memory_space<vmem>>, vector<16xi32>,
      %mul3A_161 = arith.constant 16 : i32
      %mul3A_162 = arith.muli %scan3A_147, %mul3A_161 : i32
      %add3A_163 = arith.constant 256 : i32
      %add3A_164 = arith.addi %add3A_163, %mul3A_162 : i32
      %get3A_165 = arith.index_cast %add3A_164 : i32 to index
      %get3A_166 = tpu.vector_load %arg6[%get3A_165] {strides = array<i32>} : memref<512xi32, #tpu.memory_space<vmem>>, vector<16xi32>,
      %shift_right_arithmetic3A_167 = arith.constant 3 : i32
      %shift_right_arithmetic3A_168 = vector.broadcast %shift_right_arithmetic3A_167 : i32 to vector<16xi32>
      %shift_right_arithmetic3A_169 = arith.shrsi %get3A_166, %shift_right_arithmetic3A_168 : vector<16xi32>
      %mul3A_170 = arith.constant 16 : i32
      %mul3A_171 = arith.muli %scan3A_147, %mul3A_170 : i32
      %swap3A_172 = arith.index_cast %mul3A_171 : i32 to index
      %swap3A_173 = tpu.vector_load %arg8[%swap3A_172] {strides = array<i32>} : memref<256xi32, #tpu.memory_space<vmem>>, vector<16xi32>,
      tpu.vector_store %arg8[%swap3A_172], %shift_right_arithmetic3A_169 {strides = array<i32>} : memref<256xi32, #tpu.memory_space<vmem>>, vector<16xi32>,
    }
    %scan3A_7 = arith.constant 16 : i32
    %iota3A = tpu.iota {dimensions = array<i32: 0>} : vector<16xi32>
    %dma_start3A = arith.constant 0 : i32
    %dma_start3A_8 = arith.constant 0 : i32
    %dma_start3A_9 = arith.constant 0 : i32
    %dma_start3A_10 = tpu.memref_slice %arg3[%dma_start3A_8, %dma_start3A_9] : memref<125000x128xf32, #tpu.memory_space<hbm>> -> memref<125000x128xf32, #tpu.memory_space<hbm>>
    %dma_start3A_11 = tpu.memref_slice %arg12[%dma_start3A] : memref<2x!tpu.dma_semaphore, #tpu.memory_space<semaphore_mem>> -> memref<1x!tpu.dma_semaphore, #tpu.memory_space<semaphore_mem>>
    %dma_start3A_12 = tpu.memref_squeeze %dma_start3A_11 : memref<1x!tpu.dma_semaphore, #tpu.memory_space<semaphore_mem>> -> memref<!tpu.dma_semaphore, #tpu.memory_space<semaphore_mem>>
    tpu.enqueue_indirect_dma source(%dma_start3A_10 : memref<125000x128xf32, #tpu.memory_space<hbm>>) target(%arg9 : memref<256x128xf32, #tpu.memory_space<vmem>>) offsets(%arg7 : memref<256xi32, #tpu.memory_space<vmem>>) semaphore(%dma_start3A_12 : memref<!tpu.dma_semaphore, #tpu.memory_space<semaphore_mem>>)
    %dma_start3A_13 = arith.constant 1 : i32
    %dma_start3A_14 = arith.constant 0 : i32
    %dma_start3A_15 = arith.constant 0 : i32
    %dma_start3A_16 = tpu.memref_slice %arg4[%dma_start3A_14, %dma_start3A_15] : memref<125000x128xf32, #tpu.memory_space<hbm>> -> memref<125000x128xf32, #tpu.memory_space<hbm>>
    %dma_start3A_17 = tpu.memref_slice %arg12[%dma_start3A_13] : memref<2x!tpu.dma_semaphore, #tpu.memory_space<semaphore_mem>> -> memref<1x!tpu.dma_semaphore, #tpu.memory_space<semaphore_mem>>
    %dma_start3A_18 = tpu.memref_squeeze %dma_start3A_17 : memref<1x!tpu.dma_semaphore, #tpu.memory_space<semaphore_mem>> -> memref<!tpu.dma_semaphore, #tpu.memory_space<semaphore_mem>>
    tpu.enqueue_indirect_dma source(%dma_start3A_16 : memref<125000x128xf32, #tpu.memory_space<hbm>>) target(%arg10 : memref<256x128xf32, #tpu.memory_space<vmem>>) offsets(%arg7 : memref<256xi32, #tpu.memory_space<vmem>>) semaphore(%dma_start3A_18 : memref<!tpu.dma_semaphore, #tpu.memory_space<semaphore_mem>>)
    %dma_wait3A = arith.constant 0 : i32
    %dma_wait3A_19 = arith.constant 0 : i32
    %dma_wait3A_20 = arith.constant 0 : i32
    %dma_wait3A_21 = tpu.memref_slice %arg3[%dma_wait3A_19, %dma_wait3A_20] : memref<125000x128xf32, #tpu.memory_space<hbm>> -> memref<125000x128xf32, #tpu.memory_space<hbm>>
    %dma_wait3A_22 = tpu.memref_slice %arg12[%dma_wait3A] : memref<2x!tpu.dma_semaphore, #tpu.memory_space<semaphore_mem>> -> memref<1x!tpu.dma_semaphore, #tpu.memory_space<semaphore_mem>>
    %dma_wait3A_23 = tpu.memref_squeeze %dma_wait3A_22 : memref<1x!tpu.dma_semaphore, #tpu.memory_space<semaphore_mem>> -> memref<!tpu.dma_semaphore, #tpu.memory_space<semaphore_mem>>
    tpu.wait_indirect_dma semaphore(%dma_wait3A_23 : memref<!tpu.dma_semaphore, #tpu.memory_space<semaphore_mem>>) src(%dma_wait3A_21 : memref<125000x128xf32, #tpu.memory_space<hbm>>) dst(%arg9 : memref<256x128xf32, #tpu.memory_space<vmem>>)
    %dma_wait3A_24 = arith.constant 1 : i32
    %dma_wait3A_25 = arith.constant 0 : i32
    %dma_wait3A_26 = arith.constant 0 : i32
    %dma_wait3A_27 = tpu.memref_slice %arg4[%dma_wait3A_25, %dma_wait3A_26] : memref<125000x128xf32, #tpu.memory_space<hbm>> -> memref<125000x128xf32, #tpu.memory_space<hbm>>
    %dma_wait3A_28 = tpu.memref_slice %arg12[%dma_wait3A_24] : memref<2x!tpu.dma_semaphore, #tpu.memory_space<semaphore_mem>> -> memref<1x!tpu.dma_semaphore, #tpu.memory_space<semaphore_mem>>
    %dma_wait3A_29 = tpu.memref_squeeze %dma_wait3A_28 : memref<1x!tpu.dma_semaphore, #tpu.memory_space<semaphore_mem>> -> memref<!tpu.dma_semaphore, #tpu.memory_space<semaphore_mem>>
    tpu.wait_indirect_dma semaphore(%dma_wait3A_29 : memref<!tpu.dma_semaphore, #tpu.memory_space<semaphore_mem>>) src(%dma_wait3A_27 : memref<125000x128xf32, #tpu.memory_space<hbm>>) dst(%arg10 : memref<256x128xf32, #tpu.memory_space<vmem>>)
    %scan3A_30 = arith.constant 0 : i32
    %scan3A_31 = arith.constant 0 : i32
    %scan3A_32 = arith.constant 16 : i32
    %scan3A_33 = arith.addi %scan3A_31, %scan3A_32 : i32
    %scan3A_34 = arith.constant 2 : i32
    scf.for %scan3A_66 = %scan3A_31 to %scan3A_33 step %scan3A_34  : i32 {
      %mul3A_67 = arith.constant 16 : i32
      %mul3A_68 = arith.muli %scan3A_66, %mul3A_67 : i32
      %add3A_69 = arith.constant 0 : i32
      %add3A_70 = arith.addi %add3A_69, %mul3A_68 : i32
      %get3A = arith.index_cast %add3A_70 : i32 to index
      %get3A_71 = tpu.vector_load %arg6[%get3A] {strides = array<i32>} : memref<512xi32, #tpu.memory_space<vmem>>, vector<16xi32>,
      %and3A = arith.constant 7 : i32
      %and3A_72 = vector.broadcast %and3A : i32 to vector<16xi32>
      %and3A_73 = arith.andi %get3A_71, %and3A_72 : vector<16xi32>
      %mul3A_74 = arith.constant 16 : i32
      %mul3A_75 = vector.broadcast %mul3A_74 : i32 to vector<16xi32>
      %mul3A_76 = arith.muli %and3A_73, %mul3A_75 : vector<16xi32>
      %mul3A_77 = arith.constant 16 : i32
      %mul3A_78 = arith.muli %scan3A_66, %mul3A_77 : i32
      %add3A_79 = vector.broadcast %mul3A_78 : i32 to vector<16xi32>
      %add3A_80 = arith.addi %iota3A, %add3A_79 : vector<16xi32>
      %add3A_81 = arith.constant 0 : i32
      %add3A_82 = vector.broadcast %add3A_81 : i32 to vector<16xi32>
      %add3A_83 = arith.addi %mul3A_76, %add3A_82 : vector<16xi32>
      %gather3A = tpu.vector_load_idx %arg9[%add3A_80, %add3A_83] : memref<256x128xf32, #tpu.memory_space<vmem>>[vector<16xi32>, vector<16xi32>], vector<16xf32>,
      %add3A_84 = arith.constant 0 : i32
      %add3A_85 = vector.broadcast %add3A_84 : i32 to vector<16xi32>
      %add3A_86 = arith.addi %mul3A_76, %add3A_85 : vector<16xi32>
      %gather3A_87 = tpu.vector_load_idx %arg10[%add3A_80, %add3A_86] : memref<256x128xf32, #tpu.memory_space<vmem>>[vector<16xi32>, vector<16xi32>], vector<16xf32>,
      %add3A_88 = arith.addf %gather3A, %gather3A_87 : vector<16xf32>
      %mul3A_89 = arith.constant 16 : i32
      %mul3A_90 = arith.muli %scan3A_66, %mul3A_89 : i32
      %add3A_91 = arith.constant 0 : i32
      %add3A_92 = arith.addi %add3A_91, %mul3A_90 : i32
      %swap3A = arith.constant 0 : i32
      %swap3A_93 = arith.index_cast %swap3A : i32 to index
      %swap3A_94 = arith.index_cast %add3A_92 : i32 to index
      %swap3A_95 = tpu.vector_load %arg11[%swap3A_93, %swap3A_94] {strides = array<i32>} : memref<16x512xf32, #tpu.memory_space<vmem>>, vector<16xf32>,
      tpu.vector_store %arg11[%swap3A_93, %swap3A_94], %add3A_88 {strides = array<i32>} : memref<16x512xf32, #tpu.memory_space<vmem>>, vector<16xf32>,
      %add3A_96 = arith.constant 1 : i32
      %add3A_97 = vector.broadcast %add3A_96 : i32 to vector<16xi32>
      %add3A_98 = arith.addi %mul3A_76, %add3A_97 : vector<16xi32>
      %gather3A_99 = tpu.vector_load_idx %arg9[%add3A_80, %add3A_98] : memref<256x128xf32, #tpu.memory_space<vmem>>[vector<16xi32>, vector<16xi32>], vector<16xf32>,
      %add3A_100 = arith.constant 1 : i32
      %add3A_101 = vector.broadcast %add3A_100 : i32 to vector<16xi32>
      %add3A_102 = arith.addi %mul3A_76, %add3A_101 : vector<16xi32>
      %gather3A_103 = tpu.vector_load_idx %arg10[%add3A_80, %add3A_102] : memref<256x128xf32, #tpu.memory_space<vmem>>[vector<16xi32>, vector<16xi32>], vector<16xf32>,
      %add3A_104 = arith.addf %gather3A_99, %gather3A_103 : vector<16xf32>
      %mul3A_105 = arith.constant 16 : i32
      %mul3A_106 = arith.muli %scan3A_66, %mul3A_105 : i32
      %add3A_107 = arith.constant 0 : i32
      %add3A_108 = arith.addi %add3A_107, %mul3A_106 : i32
      %swap3A_109 = arith.constant 1 : i32
      %swap3A_110 = arith.index_cast %swap3A_109 : i32 to index
      %swap3A_111 = arith.index_cast %add3A_108 : i32 to index
      %swap3A_112 = tpu.vector_load %arg11[%swap3A_110, %swap3A_111] {strides = array<i32>} : memref<16x512xf32, #tpu.memory_space<vmem>>, vector<16xf32>,
      tpu.vector_store %arg11[%swap3A_110, %swap3A_111], %add3A_104 {strides = array<i32>} : memref<16x512xf32, #tpu.memory_space<vmem>>, vector<16xf32>,
      %add3A_113 = arith.constant 2 : i32
      %add3A_114 = vector.broadcast %add3A_113 : i32 to vector<16xi32>
      %add3A_115 = arith.addi %mul3A_76, %add3A_114 : vector<16xi32>
      %gather3A_116 = tpu.vector_load_idx %arg9[%add3A_80, %add3A_115] : memref<256x128xf32, #tpu.memory_space<vmem>>[vector<16xi32>, vector<16xi32>], vector<16xf32>,
      %add3A_117 = arith.constant 2 : i32
      %add3A_118 = vector.broadcast %add3A_117 : i32 to vector<16xi32>
      %add3A_119 = arith.addi %mul3A_76, %add3A_118 : vector<16xi32>
      %gather3A_120 = tpu.vector_load_idx %arg10[%add3A_80, %add3A_119] : memref<256x128xf32, #tpu.memory_space<vmem>>[vector<16xi32>, vector<16xi32>], vector<16xf32>,
      %add3A_121 = arith.addf %gather3A_116, %gather3A_120 : vector<16xf32>
      %mul3A_122 = arith.constant 16 : i32
      %mul3A_123 = arith.muli %scan3A_66, %mul3A_122 : i32
      %add3A_124 = arith.constant 0 : i32
      %add3A_125 = arith.addi %add3A_124, %mul3A_123 : i32
      %swap3A_126 = arith.constant 2 : i32
      %swap3A_127 = arith.index_cast %swap3A_126 : i32 to index
      %swap3A_128 = arith.index_cast %add3A_125 : i32 to index
      %swap3A_129 = tpu.vector_load %arg11[%swap3A_127, %swap3A_128] {strides = array<i32>} : memref<16x512xf32, #tpu.memory_space<vmem>>, vector<16xf32>,
      tpu.vector_store %arg11[%swap3A_127, %swap3A_128], %add3A_121 {strides = array<i32>} : memref<16x512xf32, #tpu.memory_space<vmem>>, vector<16xf32>,
      %add3A_130 = arith.constant 3 : i32
      %add3A_131 = vector.broadcast %add3A_130 : i32 to vector<16xi32>
      %add3A_132 = arith.addi %mul3A_76, %add3A_131 : vector<16xi32>
      %gather3A_133 = tpu.vector_load_idx %arg9[%add3A_80, %add3A_132] : memref<256x128xf32, #tpu.memory_space<vmem>>[vector<16xi32>, vector<16xi32>], vector<16xf32>,
      %add3A_134 = arith.constant 3 : i32
      %add3A_135 = vector.broadcast %add3A_134 : i32 to vector<16xi32>
      %add3A_136 = arith.addi %mul3A_76, %add3A_135 : vector<16xi32>
      %gather3A_137 = tpu.vector_load_idx %arg10[%add3A_80, %add3A_136] : memref<256x128xf32, #tpu.memory_space<vmem>>[vector<16xi32>, vector<16xi32>], vector<16xf32>,
      %add3A_138 = arith.addf %gather3A_133, %gather3A_137 : vector<16xf32>
      %mul3A_139 = arith.constant 16 : i32
      %mul3A_140 = arith.muli %scan3A_66, %mul3A_139 : i32
      %add3A_141 = arith.constant 0 : i32
      %add3A_142 = arith.addi %add3A_141, %mul3A_140 : i32
      %swap3A_143 = arith.constant 3 : i32
      %swap3A_144 = arith.index_cast %swap3A_143 : i32 to index
      %swap3A_145 = arith.index_cast %add3A_142 : i32 to index
      %swap3A_146 = tpu.vector_load %arg11[%swap3A_144, %swap3A_145] {strides = array<i32>} : memref<16x512xf32, #tpu.memory_space<vmem>>, vector<16xf32>,
      tpu.vector_store %arg11[%swap3A_144, %swap3A_145], %add3A_138 {strides = array<i32>} : memref<16x512xf32, #tpu.memory_space<vmem>>, vector<16xf32>,
      %add3A_147 = arith.constant 4 : i32
      %add3A_148 = vector.broadcast %add3A_147 : i32 to vector<16xi32>
      %add3A_149 = arith.addi %mul3A_76, %add3A_148 : vector<16xi32>
      %gather3A_150 = tpu.vector_load_idx %arg9[%add3A_80, %add3A_149] : memref<256x128xf32, #tpu.memory_space<vmem>>[vector<16xi32>, vector<16xi32>], vector<16xf32>,
      %add3A_151 = arith.constant 4 : i32
      %add3A_152 = vector.broadcast %add3A_151 : i32 to vector<16xi32>
      %add3A_153 = arith.addi %mul3A_76, %add3A_152 : vector<16xi32>
      %gather3A_154 = tpu.vector_load_idx %arg10[%add3A_80, %add3A_153] : memref<256x128xf32, #tpu.memory_space<vmem>>[vector<16xi32>, vector<16xi32>], vector<16xf32>,
      %add3A_155 = arith.addf %gather3A_150, %gather3A_154 : vector<16xf32>
      %mul3A_156 = arith.constant 16 : i32
      %mul3A_157 = arith.muli %scan3A_66, %mul3A_156 : i32
      %add3A_158 = arith.constant 0 : i32
      %add3A_159 = arith.addi %add3A_158, %mul3A_157 : i32
      %swap3A_160 = arith.constant 4 : i32
      %swap3A_161 = arith.index_cast %swap3A_160 : i32 to index
      %swap3A_162 = arith.index_cast %add3A_159 : i32 to index
      %swap3A_163 = tpu.vector_load %arg11[%swap3A_161, %swap3A_162] {strides = array<i32>} : memref<16x512xf32, #tpu.memory_space<vmem>>, vector<16xf32>,
      tpu.vector_store %arg11[%swap3A_161, %swap3A_162], %add3A_155 {strides = array<i32>} : memref<16x512xf32, #tpu.memory_space<vmem>>, vector<16xf32>,
      %add3A_164 = arith.constant 5 : i32
      %add3A_165 = vector.broadcast %add3A_164 : i32 to vector<16xi32>
      %add3A_166 = arith.addi %mul3A_76, %add3A_165 : vector<16xi32>
      %gather3A_167 = tpu.vector_load_idx %arg9[%add3A_80, %add3A_166] : memref<256x128xf32, #tpu.memory_space<vmem>>[vector<16xi32>, vector<16xi32>], vector<16xf32>,
      %add3A_168 = arith.constant 5 : i32
      %add3A_169 = vector.broadcast %add3A_168 : i32 to vector<16xi32>
      %add3A_170 = arith.addi %mul3A_76, %add3A_169 : vector<16xi32>
      %gather3A_171 = tpu.vector_load_idx %arg10[%add3A_80, %add3A_170] : memref<256x128xf32, #tpu.memory_space<vmem>>[vector<16xi32>, vector<16xi32>], vector<16xf32>,
      %add3A_172 = arith.addf %gather3A_167, %gather3A_171 : vector<16xf32>
      %mul3A_173 = arith.constant 16 : i32
      %mul3A_174 = arith.muli %scan3A_66, %mul3A_173 : i32
      %add3A_175 = arith.constant 0 : i32
      %add3A_176 = arith.addi %add3A_175, %mul3A_174 : i32
      %swap3A_177 = arith.constant 5 : i32
      %swap3A_178 = arith.index_cast %swap3A_177 : i32 to index
      %swap3A_179 = arith.index_cast %add3A_176 : i32 to index
      %swap3A_180 = tpu.vector_load %arg11[%swap3A_178, %swap3A_179] {strides = array<i32>} : memref<16x512xf32, #tpu.memory_space<vmem>>, vector<16xf32>,
      tpu.vector_store %arg11[%swap3A_178, %swap3A_179], %add3A_172 {strides = array<i32>} : memref<16x512xf32, #tpu.memory_space<vmem>>, vector<16xf32>,
      %add3A_181 = arith.constant 6 : i32
      %add3A_182 = vector.broadcast %add3A_181 : i32 to vector<16xi32>
      %add3A_183 = arith.addi %mul3A_76, %add3A_182 : vector<16xi32>
      %gather3A_184 = tpu.vector_load_idx %arg9[%add3A_80, %add3A_183] : memref<256x128xf32, #tpu.memory_space<vmem>>[vector<16xi32>, vector<16xi32>], vector<16xf32>,
      %add3A_185 = arith.constant 6 : i32
      %add3A_186 = vector.broadcast %add3A_185 : i32 to vector<16xi32>
      %add3A_187 = arith.addi %mul3A_76, %add3A_186 : vector<16xi32>
      %gather3A_188 = tpu.vector_load_idx %arg10[%add3A_80, %add3A_187] : memref<256x128xf32, #tpu.memory_space<vmem>>[vector<16xi32>, vector<16xi32>], vector<16xf32>,
      %add3A_189 = arith.addf %gather3A_184, %gather3A_188 : vector<16xf32>
      %mul3A_190 = arith.constant 16 : i32
      %mul3A_191 = arith.muli %scan3A_66, %mul3A_190 : i32
      %add3A_192 = arith.constant 0 : i32
      %add3A_193 = arith.addi %add3A_192, %mul3A_191 : i32
      %swap3A_194 = arith.constant 6 : i32
      %swap3A_195 = arith.index_cast %swap3A_194 : i32 to index
      %swap3A_196 = arith.index_cast %add3A_193 : i32 to index
      %swap3A_197 = tpu.vector_load %arg11[%swap3A_195, %swap3A_196] {strides = array<i32>} : memref<16x512xf32, #tpu.memory_space<vmem>>, vector<16xf32>,
      tpu.vector_store %arg11[%swap3A_195, %swap3A_196], %add3A_189 {strides = array<i32>} : memref<16x512xf32, #tpu.memory_space<vmem>>, vector<16xf32>,
      %add3A_198 = arith.constant 7 : i32
      %add3A_199 = vector.broadcast %add3A_198 : i32 to vector<16xi32>
      %add3A_200 = arith.addi %mul3A_76, %add3A_199 : vector<16xi32>
      %gather3A_201 = tpu.vector_load_idx %arg9[%add3A_80, %add3A_200] : memref<256x128xf32, #tpu.memory_space<vmem>>[vector<16xi32>, vector<16xi32>], vector<16xf32>,
      %add3A_202 = arith.constant 7 : i32
      %add3A_203 = vector.broadcast %add3A_202 : i32 to vector<16xi32>
      %add3A_204 = arith.addi %mul3A_76, %add3A_203 : vector<16xi32>
      %gather3A_205 = tpu.vector_load_idx %arg10[%add3A_80, %add3A_204] : memref<256x128xf32, #tpu.memory_space<vmem>>[vector<16xi32>, vector<16xi32>], vector<16xf32>,
      %add3A_206 = arith.addf %gather3A_201, %gather3A_205 : vector<16xf32>
      %mul3A_207 = arith.constant 16 : i32
      %mul3A_208 = arith.muli %scan3A_66, %mul3A_207 : i32
      %add3A_209 = arith.constant 0 : i32
      %add3A_210 = arith.addi %add3A_209, %mul3A_208 : i32
      %swap3A_211 = arith.constant 7 : i32
      %swap3A_212 = arith.index_cast %swap3A_211 : i32 to index
      %swap3A_213 = arith.index_cast %add3A_210 : i32 to index
      %swap3A_214 = tpu.vector_load %arg11[%swap3A_212, %swap3A_213] {strides = array<i32>} : memref<16x512xf32, #tpu.memory_space<vmem>>, vector<16xf32>,
      tpu.vector_store %arg11[%swap3A_212, %swap3A_213], %add3A_206 {strides = array<i32>} : memref<16x512xf32, #tpu.memory_space<vmem>>, vector<16xf32>,
      %add3A_215 = arith.constant 8 : i32
      %add3A_216 = vector.broadcast %add3A_215 : i32 to vector<16xi32>
      %add3A_217 = arith.addi %mul3A_76, %add3A_216 : vector<16xi32>
      %gather3A_218 = tpu.vector_load_idx %arg9[%add3A_80, %add3A_217] : memref<256x128xf32, #tpu.memory_space<vmem>>[vector<16xi32>, vector<16xi32>], vector<16xf32>,
      %add3A_219 = arith.constant 8 : i32
      %add3A_220 = vector.broadcast %add3A_219 : i32 to vector<16xi32>
      %add3A_221 = arith.addi %mul3A_76, %add3A_220 : vector<16xi32>
      %gather3A_222 = tpu.vector_load_idx %arg10[%add3A_80, %add3A_221] : memref<256x128xf32, #tpu.memory_space<vmem>>[vector<16xi32>, vector<16xi32>], vector<16xf32>,
      %add3A_223 = arith.addf %gather3A_218, %gather3A_222 : vector<16xf32>
      %mul3A_224 = arith.constant 16 : i32
      %mul3A_225 = arith.muli %scan3A_66, %mul3A_224 : i32
      %add3A_226 = arith.constant 0 : i32
      %add3A_227 = arith.addi %add3A_226, %mul3A_225 : i32
      %swap3A_228 = arith.constant 8 : i32
      %swap3A_229 = arith.index_cast %swap3A_228 : i32 to index
      %swap3A_230 = arith.index_cast %add3A_227 : i32 to index
      %swap3A_231 = tpu.vector_load %arg11[%swap3A_229, %swap3A_230] {strides = array<i32>} : memref<16x512xf32, #tpu.memory_space<vmem>>, vector<16xf32>,
      tpu.vector_store %arg11[%swap3A_229, %swap3A_230], %add3A_223 {strides = array<i32>} : memref<16x512xf32, #tpu.memory_space<vmem>>, vector<16xf32>,
      %add3A_232 = arith.constant 9 : i32
      %add3A_233 = vector.broadcast %add3A_232 : i32 to vector<16xi32>
      %add3A_234 = arith.addi %mul3A_76, %add3A_233 : vector<16xi32>
      %gather3A_235 = tpu.vector_load_idx %arg9[%add3A_80, %add3A_234] : memref<256x128xf32, #tpu.memory_space<vmem>>[vector<16xi32>, vector<16xi32>], vector<16xf32>,
      %add3A_236 = arith.constant 9 : i32
      %add3A_237 = vector.broadcast %add3A_236 : i32 to vector<16xi32>
      %add3A_238 = arith.addi %mul3A_76, %add3A_237 : vector<16xi32>
      %gather3A_239 = tpu.vector_load_idx %arg10[%add3A_80, %add3A_238] : memref<256x128xf32, #tpu.memory_space<vmem>>[vector<16xi32>, vector<16xi32>], vector<16xf32>,
      %add3A_240 = arith.addf %gather3A_235, %gather3A_239 : vector<16xf32>
      %mul3A_241 = arith.constant 16 : i32
      %mul3A_242 = arith.muli %scan3A_66, %mul3A_241 : i32
      %add3A_243 = arith.constant 0 : i32
      %add3A_244 = arith.addi %add3A_243, %mul3A_242 : i32
      %swap3A_245 = arith.constant 9 : i32
      %swap3A_246 = arith.index_cast %swap3A_245 : i32 to index
      %swap3A_247 = arith.index_cast %add3A_244 : i32 to index
      %swap3A_248 = tpu.vector_load %arg11[%swap3A_246, %swap3A_247] {strides = array<i32>} : memref<16x512xf32, #tpu.memory_space<vmem>>, vector<16xf32>,
      tpu.vector_store %arg11[%swap3A_246, %swap3A_247], %add3A_240 {strides = array<i32>} : memref<16x512xf32, #tpu.memory_space<vmem>>, vector<16xf32>,
      %add3A_249 = arith.constant 10 : i32
      %add3A_250 = vector.broadcast %add3A_249 : i32 to vector<16xi32>
      %add3A_251 = arith.addi %mul3A_76, %add3A_250 : vector<16xi32>
      %gather3A_252 = tpu.vector_load_idx %arg9[%add3A_80, %add3A_251] : memref<256x128xf32, #tpu.memory_space<vmem>>[vector<16xi32>, vector<16xi32>], vector<16xf32>,
      %add3A_253 = arith.constant 10 : i32
      %add3A_254 = vector.broadcast %add3A_253 : i32 to vector<16xi32>
      %add3A_255 = arith.addi %mul3A_76, %add3A_254 : vector<16xi32>
      %gather3A_256 = tpu.vector_load_idx %arg10[%add3A_80, %add3A_255] : memref<256x128xf32, #tpu.memory_space<vmem>>[vector<16xi32>, vector<16xi32>], vector<16xf32>,
      %add3A_257 = arith.addf %gather3A_252, %gather3A_256 : vector<16xf32>
      %mul3A_258 = arith.constant 16 : i32
      %mul3A_259 = arith.muli %scan3A_66, %mul3A_258 : i32
      %add3A_260 = arith.constant 0 : i32
      %add3A_261 = arith.addi %add3A_260, %mul3A_259 : i32
      %swap3A_262 = arith.constant 10 : i32
      %swap3A_263 = arith.index_cast %swap3A_262 : i32 to index
      %swap3A_264 = arith.index_cast %add3A_261 : i32 to index
      %swap3A_265 = tpu.vector_load %arg11[%swap3A_263, %swap3A_264] {strides = array<i32>} : memref<16x512xf32, #tpu.memory_space<vmem>>, vector<16xf32>,
      tpu.vector_store %arg11[%swap3A_263, %swap3A_264], %add3A_257 {strides = array<i32>} : memref<16x512xf32, #tpu.memory_space<vmem>>, vector<16xf32>,
      %add3A_266 = arith.constant 11 : i32
      %add3A_267 = vector.broadcast %add3A_266 : i32 to vector<16xi32>
      %add3A_268 = arith.addi %mul3A_76, %add3A_267 : vector<16xi32>
      %gather3A_269 = tpu.vector_load_idx %arg9[%add3A_80, %add3A_268] : memref<256x128xf32, #tpu.memory_space<vmem>>[vector<16xi32>, vector<16xi32>], vector<16xf32>,
      %add3A_270 = arith.constant 11 : i32
      %add3A_271 = vector.broadcast %add3A_270 : i32 to vector<16xi32>
      %add3A_272 = arith.addi %mul3A_76, %add3A_271 : vector<16xi32>
      %gather3A_273 = tpu.vector_load_idx %arg10[%add3A_80, %add3A_272] : memref<256x128xf32, #tpu.memory_space<vmem>>[vector<16xi32>, vector<16xi32>], vector<16xf32>,
      %add3A_274 = arith.addf %gather3A_269, %gather3A_273 : vector<16xf32>
      %mul3A_275 = arith.constant 16 : i32
      %mul3A_276 = arith.muli %scan3A_66, %mul3A_275 : i32
      %add3A_277 = arith.constant 0 : i32
      %add3A_278 = arith.addi %add3A_277, %mul3A_276 : i32
      %swap3A_279 = arith.constant 11 : i32
      %swap3A_280 = arith.index_cast %swap3A_279 : i32 to index
      %swap3A_281 = arith.index_cast %add3A_278 : i32 to index
      %swap3A_282 = tpu.vector_load %arg11[%swap3A_280, %swap3A_281] {strides = array<i32>} : memref<16x512xf32, #tpu.memory_space<vmem>>, vector<16xf32>,
      tpu.vector_store %arg11[%swap3A_280, %swap3A_281], %add3A_274 {strides = array<i32>} : memref<16x512xf32, #tpu.memory_space<vmem>>, vector<16xf32>,
      %add3A_283 = arith.constant 12 : i32
      %add3A_284 = vector.broadcast %add3A_283 : i32 to vector<16xi32>
      %add3A_285 = arith.addi %mul3A_76, %add3A_284 : vector<16xi32>
      %gather3A_286 = tpu.vector_load_idx %arg9[%add3A_80, %add3A_285] : memref<256x128xf32, #tpu.memory_space<vmem>>[vector<16xi32>, vector<16xi32>], vector<16xf32>,
      %add3A_287 = arith.constant 12 : i32
      %add3A_288 = vector.broadcast %add3A_287 : i32 to vector<16xi32>
      %add3A_289 = arith.addi %mul3A_76, %add3A_288 : vector<16xi32>
      %gather3A_290 = tpu.vector_load_idx %arg10[%add3A_80, %add3A_289] : memref<256x128xf32, #tpu.memory_space<vmem>>[vector<16xi32>, vector<16xi32>], vector<16xf32>,
      %add3A_291 = arith.addf %gather3A_286, %gather3A_290 : vector<16xf32>
      %mul3A_292 = arith.constant 16 : i32
      %mul3A_293 = arith.muli %scan3A_66, %mul3A_292 : i32
      %add3A_294 = arith.constant 0 : i32
      %add3A_295 = arith.addi %add3A_294, %mul3A_293 : i32
      %swap3A_296 = arith.constant 12 : i32
      %swap3A_297 = arith.index_cast %swap3A_296 : i32 to index
      %swap3A_298 = arith.index_cast %add3A_295 : i32 to index
      %swap3A_299 = tpu.vector_load %arg11[%swap3A_297, %swap3A_298] {strides = array<i32>} : memref<16x512xf32, #tpu.memory_space<vmem>>, vector<16xf32>,
      tpu.vector_store %arg11[%swap3A_297, %swap3A_298], %add3A_291 {strides = array<i32>} : memref<16x512xf32, #tpu.memory_space<vmem>>, vector<16xf32>,
      %add3A_300 = arith.constant 13 : i32
      %add3A_301 = vector.broadcast %add3A_300 : i32 to vector<16xi32>
      %add3A_302 = arith.addi %mul3A_76, %add3A_301 : vector<16xi32>
      %gather3A_303 = tpu.vector_load_idx %arg9[%add3A_80, %add3A_302] : memref<256x128xf32, #tpu.memory_space<vmem>>[vector<16xi32>, vector<16xi32>], vector<16xf32>,
      %add3A_304 = arith.constant 13 : i32
      %add3A_305 = vector.broadcast %add3A_304 : i32 to vector<16xi32>
      %add3A_306 = arith.addi %mul3A_76, %add3A_305 : vector<16xi32>
      %gather3A_307 = tpu.vector_load_idx %arg10[%add3A_80, %add3A_306] : memref<256x128xf32, #tpu.memory_space<vmem>>[vector<16xi32>, vector<16xi32>], vector<16xf32>,
      %add3A_308 = arith.addf %gather3A_303, %gather3A_307 : vector<16xf32>
      %mul3A_309 = arith.constant 16 : i32
      %mul3A_310 = arith.muli %scan3A_66, %mul3A_309 : i32
      %add3A_311 = arith.constant 0 : i32
      %add3A_312 = arith.addi %add3A_311, %mul3A_310 : i32
      %swap3A_313 = arith.constant 13 : i32
      %swap3A_314 = arith.index_cast %swap3A_313 : i32 to index
      %swap3A_315 = arith.index_cast %add3A_312 : i32 to index
      %swap3A_316 = tpu.vector_load %arg11[%swap3A_314, %swap3A_315] {strides = array<i32>} : memref<16x512xf32, #tpu.memory_space<vmem>>, vector<16xf32>,
      tpu.vector_store %arg11[%swap3A_314, %swap3A_315], %add3A_308 {strides = array<i32>} : memref<16x512xf32, #tpu.memory_space<vmem>>, vector<16xf32>,
      %add3A_317 = arith.constant 14 : i32
      %add3A_318 = vector.broadcast %add3A_317 : i32 to vector<16xi32>
      %add3A_319 = arith.addi %mul3A_76, %add3A_318 : vector<16xi32>
      %gather3A_320 = tpu.vector_load_idx %arg9[%add3A_80, %add3A_319] : memref<256x128xf32, #tpu.memory_space<vmem>>[vector<16xi32>, vector<16xi32>], vector<16xf32>,
      %add3A_321 = arith.constant 14 : i32
      %add3A_322 = vector.broadcast %add3A_321 : i32 to vector<16xi32>
      %add3A_323 = arith.addi %mul3A_76, %add3A_322 : vector<16xi32>
      %gather3A_324 = tpu.vector_load_idx %arg10[%add3A_80, %add3A_323] : memref<256x128xf32, #tpu.memory_space<vmem>>[vector<16xi32>, vector<16xi32>], vector<16xf32>,
      %add3A_325 = arith.addf %gather3A_320, %gather3A_324 : vector<16xf32>
      %mul3A_326 = arith.constant 16 : i32
      %mul3A_327 = arith.muli %scan3A_66, %mul3A_326 : i32
      %add3A_328 = arith.constant 0 : i32
      %add3A_329 = arith.addi %add3A_328, %mul3A_327 : i32
      %swap3A_330 = arith.constant 14 : i32
      %swap3A_331 = arith.index_cast %swap3A_330 : i32 to index
      %swap3A_332 = arith.index_cast %add3A_329 : i32 to index
      %swap3A_333 = tpu.vector_load %arg11[%swap3A_331, %swap3A_332] {strides = array<i32>} : memref<16x512xf32, #tpu.memory_space<vmem>>, vector<16xf32>,
      tpu.vector_store %arg11[%swap3A_331, %swap3A_332], %add3A_325 {strides = array<i32>} : memref<16x512xf32, #tpu.memory_space<vmem>>, vector<16xf32>,
      %add3A_334 = arith.constant 15 : i32
      %add3A_335 = vector.broadcast %add3A_334 : i32 to vector<16xi32>
      %add3A_336 = arith.addi %mul3A_76, %add3A_335 : vector<16xi32>
      %gather3A_337 = tpu.vector_load_idx %arg9[%add3A_80, %add3A_336] : memref<256x128xf32, #tpu.memory_space<vmem>>[vector<16xi32>, vector<16xi32>], vector<16xf32>,
      %add3A_338 = arith.constant 15 : i32
      %add3A_339 = vector.broadcast %add3A_338 : i32 to vector<16xi32>
      %add3A_340 = arith.addi %mul3A_76, %add3A_339 : vector<16xi32>
      %gather3A_341 = tpu.vector_load_idx %arg10[%add3A_80, %add3A_340] : memref<256x128xf32, #tpu.memory_space<vmem>>[vector<16xi32>, vector<16xi32>], vector<16xf32>,
      %add3A_342 = arith.addf %gather3A_337, %gather3A_341 : vector<16xf32>
      %mul3A_343 = arith.constant 16 : i32
      %mul3A_344 = arith.muli %scan3A_66, %mul3A_343 : i32
      %add3A_345 = arith.constant 0 : i32
      %add3A_346 = arith.addi %add3A_345, %mul3A_344 : i32
      %swap3A_347 = arith.constant 15 : i32
      %swap3A_348 = arith.index_cast %swap3A_347 : i32 to index
      %swap3A_349 = arith.index_cast %add3A_346 : i32 to index
      %swap3A_350 = tpu.vector_load %arg11[%swap3A_348, %swap3A_349] {strides = array<i32>} : memref<16x512xf32, #tpu.memory_space<vmem>>, vector<16xf32>,
      tpu.vector_store %arg11[%swap3A_348, %swap3A_349], %add3A_342 {strides = array<i32>} : memref<16x512xf32, #tpu.memory_space<vmem>>, vector<16xf32>,
      %scan3A_351 = arith.constant 1 : i32
      %scan3A_352 = arith.addi %scan3A_66, %scan3A_351 : i32
      %mul3A_353 = arith.constant 16 : i32
      %mul3A_354 = arith.muli %scan3A_352, %mul3A_353 : i32
      %add3A_355 = arith.constant 0 : i32
      %add3A_356 = arith.addi %add3A_355, %mul3A_354 : i32
      %get3A_357 = arith.index_cast %add3A_356 : i32 to index
      %get3A_358 = tpu.vector_load %arg6[%get3A_357] {strides = array<i32>} : memref<512xi32, #tpu.memory_space<vmem>>, vector<16xi32>,
      %and3A_359 = arith.constant 7 : i32
      %and3A_360 = vector.broadcast %and3A_359 : i32 to vector<16xi32>
      %and3A_361 = arith.andi %get3A_358, %and3A_360 : vector<16xi32>
      %mul3A_362 = arith.constant 16 : i32
      %mul3A_363 = vector.broadcast %mul3A_362 : i32 to vector<16xi32>
      %mul3A_364 = arith.muli %and3A_361, %mul3A_363 : vector<16xi32>
      %mul3A_365 = arith.constant 16 : i32
      %mul3A_366 = arith.muli %scan3A_352, %mul3A_365 : i32
      %add3A_367 = vector.broadcast %mul3A_366 : i32 to vector<16xi32>
      %add3A_368 = arith.addi %iota3A, %add3A_367 : vector<16xi32>
      %add3A_369 = arith.constant 0 : i32
      %add3A_370 = vector.broadcast %add3A_369 : i32 to vector<16xi32>
      %add3A_371 = arith.addi %mul3A_364, %add3A_370 : vector<16xi32>
      %gather3A_372 = tpu.vector_load_idx %arg9[%add3A_368, %add3A_371] : memref<256x128xf32, #tpu.memory_space<vmem>>[vector<16xi32>, vector<16xi32>], vector<16xf32>,
      %add3A_373 = arith.constant 0 : i32
      %add3A_374 = vector.broadcast %add3A_373 : i32 to vector<16xi32>
      %add3A_375 = arith.addi %mul3A_364, %add3A_374 : vector<16xi32>
      %gather3A_376 = tpu.vector_load_idx %arg10[%add3A_368, %add3A_375] : memref<256x128xf32, #tpu.memory_space<vmem>>[vector<16xi32>, vector<16xi32>], vector<16xf32>,
      %add3A_377 = arith.addf %gather3A_372, %gather3A_376 : vector<16xf32>
      %mul3A_378 = arith.constant 16 : i32
      %mul3A_379 = arith.muli %scan3A_352, %mul3A_378 : i32
      %add3A_380 = arith.constant 0 : i32
      %add3A_381 = arith.addi %add3A_380, %mul3A_379 : i32
      %swap3A_382 = arith.constant 0 : i32
      %swap3A_383 = arith.index_cast %swap3A_382 : i32 to index
      %swap3A_384 = arith.index_cast %add3A_381 : i32 to index
      %swap3A_385 = tpu.vector_load %arg11[%swap3A_383, %swap3A_384] {strides = array<i32>} : memref<16x512xf32, #tpu.memory_space<vmem>>, vector<16xf32>,
      tpu.vector_store %arg11[%swap3A_383, %swap3A_384], %add3A_377 {strides = array<i32>} : memref<16x512xf32, #tpu.memory_space<vmem>>, vector<16xf32>,
      %add3A_386 = arith.constant 1 : i32
      %add3A_387 = vector.broadcast %add3A_386 : i32 to vector<16xi32>
      %add3A_388 = arith.addi %mul3A_364, %add3A_387 : vector<16xi32>
      %gather3A_389 = tpu.vector_load_idx %arg9[%add3A_368, %add3A_388] : memref<256x128xf32, #tpu.memory_space<vmem>>[vector<16xi32>, vector<16xi32>], vector<16xf32>,
      %add3A_390 = arith.constant 1 : i32
      %add3A_391 = vector.broadcast %add3A_390 : i32 to vector<16xi32>
      %add3A_392 = arith.addi %mul3A_364, %add3A_391 : vector<16xi32>
      %gather3A_393 = tpu.vector_load_idx %arg10[%add3A_368, %add3A_392] : memref<256x128xf32, #tpu.memory_space<vmem>>[vector<16xi32>, vector<16xi32>], vector<16xf32>,
      %add3A_394 = arith.addf %gather3A_389, %gather3A_393 : vector<16xf32>
      %mul3A_395 = arith.constant 16 : i32
      %mul3A_396 = arith.muli %scan3A_352, %mul3A_395 : i32
      %add3A_397 = arith.constant 0 : i32
      %add3A_398 = arith.addi %add3A_397, %mul3A_396 : i32
      %swap3A_399 = arith.constant 1 : i32
      %swap3A_400 = arith.index_cast %swap3A_399 : i32 to index
      %swap3A_401 = arith.index_cast %add3A_398 : i32 to index
      %swap3A_402 = tpu.vector_load %arg11[%swap3A_400, %swap3A_401] {strides = array<i32>} : memref<16x512xf32, #tpu.memory_space<vmem>>, vector<16xf32>,
      tpu.vector_store %arg11[%swap3A_400, %swap3A_401], %add3A_394 {strides = array<i32>} : memref<16x512xf32, #tpu.memory_space<vmem>>, vector<16xf32>,
      %add3A_403 = arith.constant 2 : i32
      %add3A_404 = vector.broadcast %add3A_403 : i32 to vector<16xi32>
      %add3A_405 = arith.addi %mul3A_364, %add3A_404 : vector<16xi32>
      %gather3A_406 = tpu.vector_load_idx %arg9[%add3A_368, %add3A_405] : memref<256x128xf32, #tpu.memory_space<vmem>>[vector<16xi32>, vector<16xi32>], vector<16xf32>,
      %add3A_407 = arith.constant 2 : i32
      %add3A_408 = vector.broadcast %add3A_407 : i32 to vector<16xi32>
      %add3A_409 = arith.addi %mul3A_364, %add3A_408 : vector<16xi32>
      %gather3A_410 = tpu.vector_load_idx %arg10[%add3A_368, %add3A_409] : memref<256x128xf32, #tpu.memory_space<vmem>>[vector<16xi32>, vector<16xi32>], vector<16xf32>,
      %add3A_411 = arith.addf %gather3A_406, %gather3A_410 : vector<16xf32>
      %mul3A_412 = arith.constant 16 : i32
      %mul3A_413 = arith.muli %scan3A_352, %mul3A_412 : i32
      %add3A_414 = arith.constant 0 : i32
      %add3A_415 = arith.addi %add3A_414, %mul3A_413 : i32
      %swap3A_416 = arith.constant 2 : i32
      %swap3A_417 = arith.index_cast %swap3A_416 : i32 to index
      %swap3A_418 = arith.index_cast %add3A_415 : i32 to index
      %swap3A_419 = tpu.vector_load %arg11[%swap3A_417, %swap3A_418] {strides = array<i32>} : memref<16x512xf32, #tpu.memory_space<vmem>>, vector<16xf32>,
      tpu.vector_store %arg11[%swap3A_417, %swap3A_418], %add3A_411 {strides = array<i32>} : memref<16x512xf32, #tpu.memory_space<vmem>>, vector<16xf32>,
      %add3A_420 = arith.constant 3 : i32
      %add3A_421 = vector.broadcast %add3A_420 : i32 to vector<16xi32>
      %add3A_422 = arith.addi %mul3A_364, %add3A_421 : vector<16xi32>
      %gather3A_423 = tpu.vector_load_idx %arg9[%add3A_368, %add3A_422] : memref<256x128xf32, #tpu.memory_space<vmem>>[vector<16xi32>, vector<16xi32>], vector<16xf32>,
      %add3A_424 = arith.constant 3 : i32
      %add3A_425 = vector.broadcast %add3A_424 : i32 to vector<16xi32>
      %add3A_426 = arith.addi %mul3A_364, %add3A_425 : vector<16xi32>
      %gather3A_427 = tpu.vector_load_idx %arg10[%add3A_368, %add3A_426] : memref<256x128xf32, #tpu.memory_space<vmem>>[vector<16xi32>, vector<16xi32>], vector<16xf32>,
      %add3A_428 = arith.addf %gather3A_423, %gather3A_427 : vector<16xf32>
      %mul3A_429 = arith.constant 16 : i32
      %mul3A_430 = arith.muli %scan3A_352, %mul3A_429 : i32
      %add3A_431 = arith.constant 0 : i32
      %add3A_432 = arith.addi %add3A_431, %mul3A_430 : i32
      %swap3A_433 = arith.constant 3 : i32
      %swap3A_434 = arith.index_cast %swap3A_433 : i32 to index
      %swap3A_435 = arith.index_cast %add3A_432 : i32 to index
      %swap3A_436 = tpu.vector_load %arg11[%swap3A_434, %swap3A_435] {strides = array<i32>} : memref<16x512xf32, #tpu.memory_space<vmem>>, vector<16xf32>,
      tpu.vector_store %arg11[%swap3A_434, %swap3A_435], %add3A_428 {strides = array<i32>} : memref<16x512xf32, #tpu.memory_space<vmem>>, vector<16xf32>,
      %add3A_437 = arith.constant 4 : i32
      %add3A_438 = vector.broadcast %add3A_437 : i32 to vector<16xi32>
      %add3A_439 = arith.addi %mul3A_364, %add3A_438 : vector<16xi32>
      %gather3A_440 = tpu.vector_load_idx %arg9[%add3A_368, %add3A_439] : memref<256x128xf32, #tpu.memory_space<vmem>>[vector<16xi32>, vector<16xi32>], vector<16xf32>,
      %add3A_441 = arith.constant 4 : i32
      %add3A_442 = vector.broadcast %add3A_441 : i32 to vector<16xi32>
      %add3A_443 = arith.addi %mul3A_364, %add3A_442 : vector<16xi32>
      %gather3A_444 = tpu.vector_load_idx %arg10[%add3A_368, %add3A_443] : memref<256x128xf32, #tpu.memory_space<vmem>>[vector<16xi32>, vector<16xi32>], vector<16xf32>,
      %add3A_445 = arith.addf %gather3A_440, %gather3A_444 : vector<16xf32>
      %mul3A_446 = arith.constant 16 : i32
      %mul3A_447 = arith.muli %scan3A_352, %mul3A_446 : i32
      %add3A_448 = arith.constant 0 : i32
      %add3A_449 = arith.addi %add3A_448, %mul3A_447 : i32
      %swap3A_450 = arith.constant 4 : i32
      %swap3A_451 = arith.index_cast %swap3A_450 : i32 to index
      %swap3A_452 = arith.index_cast %add3A_449 : i32 to index
      %swap3A_453 = tpu.vector_load %arg11[%swap3A_451, %swap3A_452] {strides = array<i32>} : memref<16x512xf32, #tpu.memory_space<vmem>>, vector<16xf32>,
      tpu.vector_store %arg11[%swap3A_451, %swap3A_452], %add3A_445 {strides = array<i32>} : memref<16x512xf32, #tpu.memory_space<vmem>>, vector<16xf32>,
      %add3A_454 = arith.constant 5 : i32
      %add3A_455 = vector.broadcast %add3A_454 : i32 to vector<16xi32>
      %add3A_456 = arith.addi %mul3A_364, %add3A_455 : vector<16xi32>
      %gather3A_457 = tpu.vector_load_idx %arg9[%add3A_368, %add3A_456] : memref<256x128xf32, #tpu.memory_space<vmem>>[vector<16xi32>, vector<16xi32>], vector<16xf32>,
      %add3A_458 = arith.constant 5 : i32
      %add3A_459 = vector.broadcast %add3A_458 : i32 to vector<16xi32>
      %add3A_460 = arith.addi %mul3A_364, %add3A_459 : vector<16xi32>
      %gather3A_461 = tpu.vector_load_idx %arg10[%add3A_368, %add3A_460] : memref<256x128xf32, #tpu.memory_space<vmem>>[vector<16xi32>, vector<16xi32>], vector<16xf32>,
      %add3A_462 = arith.addf %gather3A_457, %gather3A_461 : vector<16xf32>
      %mul3A_463 = arith.constant 16 : i32
      %mul3A_464 = arith.muli %scan3A_352, %mul3A_463 : i32
      %add3A_465 = arith.constant 0 : i32
      %add3A_466 = arith.addi %add3A_465, %mul3A_464 : i32
      %swap3A_467 = arith.constant 5 : i32
      %swap3A_468 = arith.index_cast %swap3A_467 : i32 to index
      %swap3A_469 = arith.index_cast %add3A_466 : i32 to index
      %swap3A_470 = tpu.vector_load %arg11[%swap3A_468, %swap3A_469] {strides = array<i32>} : memref<16x512xf32, #tpu.memory_space<vmem>>, vector<16xf32>,
      tpu.vector_store %arg11[%swap3A_468, %swap3A_469], %add3A_462 {strides = array<i32>} : memref<16x512xf32, #tpu.memory_space<vmem>>, vector<16xf32>,
      %add3A_471 = arith.constant 6 : i32
      %add3A_472 = vector.broadcast %add3A_471 : i32 to vector<16xi32>
      %add3A_473 = arith.addi %mul3A_364, %add3A_472 : vector<16xi32>
      %gather3A_474 = tpu.vector_load_idx %arg9[%add3A_368, %add3A_473] : memref<256x128xf32, #tpu.memory_space<vmem>>[vector<16xi32>, vector<16xi32>], vector<16xf32>,
      %add3A_475 = arith.constant 6 : i32
      %add3A_476 = vector.broadcast %add3A_475 : i32 to vector<16xi32>
      %add3A_477 = arith.addi %mul3A_364, %add3A_476 : vector<16xi32>
      %gather3A_478 = tpu.vector_load_idx %arg10[%add3A_368, %add3A_477] : memref<256x128xf32, #tpu.memory_space<vmem>>[vector<16xi32>, vector<16xi32>], vector<16xf32>,
      %add3A_479 = arith.addf %gather3A_474, %gather3A_478 : vector<16xf32>
      %mul3A_480 = arith.constant 16 : i32
      %mul3A_481 = arith.muli %scan3A_352, %mul3A_480 : i32
      %add3A_482 = arith.constant 0 : i32
      %add3A_483 = arith.addi %add3A_482, %mul3A_481 : i32
      %swap3A_484 = arith.constant 6 : i32
      %swap3A_485 = arith.index_cast %swap3A_484 : i32 to index
      %swap3A_486 = arith.index_cast %add3A_483 : i32 to index
      %swap3A_487 = tpu.vector_load %arg11[%swap3A_485, %swap3A_486] {strides = array<i32>} : memref<16x512xf32, #tpu.memory_space<vmem>>, vector<16xf32>,
      tpu.vector_store %arg11[%swap3A_485, %swap3A_486], %add3A_479 {strides = array<i32>} : memref<16x512xf32, #tpu.memory_space<vmem>>, vector<16xf32>,
      %add3A_488 = arith.constant 7 : i32
      %add3A_489 = vector.broadcast %add3A_488 : i32 to vector<16xi32>
      %add3A_490 = arith.addi %mul3A_364, %add3A_489 : vector<16xi32>
      %gather3A_491 = tpu.vector_load_idx %arg9[%add3A_368, %add3A_490] : memref<256x128xf32, #tpu.memory_space<vmem>>[vector<16xi32>, vector<16xi32>], vector<16xf32>,
      %add3A_492 = arith.constant 7 : i32
      %add3A_493 = vector.broadcast %add3A_492 : i32 to vector<16xi32>
      %add3A_494 = arith.addi %mul3A_364, %add3A_493 : vector<16xi32>
      %gather3A_495 = tpu.vector_load_idx %arg10[%add3A_368, %add3A_494] : memref<256x128xf32, #tpu.memory_space<vmem>>[vector<16xi32>, vector<16xi32>], vector<16xf32>,
      %add3A_496 = arith.addf %gather3A_491, %gather3A_495 : vector<16xf32>
      %mul3A_497 = arith.constant 16 : i32
      %mul3A_498 = arith.muli %scan3A_352, %mul3A_497 : i32
      %add3A_499 = arith.constant 0 : i32
      %add3A_500 = arith.addi %add3A_499, %mul3A_498 : i32
      %swap3A_501 = arith.constant 7 : i32
      %swap3A_502 = arith.index_cast %swap3A_501 : i32 to index
      %swap3A_503 = arith.index_cast %add3A_500 : i32 to index
      %swap3A_504 = tpu.vector_load %arg11[%swap3A_502, %swap3A_503] {strides = array<i32>} : memref<16x512xf32, #tpu.memory_space<vmem>>, vector<16xf32>,
      tpu.vector_store %arg11[%swap3A_502, %swap3A_503], %add3A_496 {strides = array<i32>} : memref<16x512xf32, #tpu.memory_space<vmem>>, vector<16xf32>,
      %add3A_505 = arith.constant 8 : i32
      %add3A_506 = vector.broadcast %add3A_505 : i32 to vector<16xi32>
      %add3A_507 = arith.addi %mul3A_364, %add3A_506 : vector<16xi32>
      %gather3A_508 = tpu.vector_load_idx %arg9[%add3A_368, %add3A_507] : memref<256x128xf32, #tpu.memory_space<vmem>>[vector<16xi32>, vector<16xi32>], vector<16xf32>,
      %add3A_509 = arith.constant 8 : i32
      %add3A_510 = vector.broadcast %add3A_509 : i32 to vector<16xi32>
      %add3A_511 = arith.addi %mul3A_364, %add3A_510 : vector<16xi32>
      %gather3A_512 = tpu.vector_load_idx %arg10[%add3A_368, %add3A_511] : memref<256x128xf32, #tpu.memory_space<vmem>>[vector<16xi32>, vector<16xi32>], vector<16xf32>,
      %add3A_513 = arith.addf %gather3A_508, %gather3A_512 : vector<16xf32>
      %mul3A_514 = arith.constant 16 : i32
      %mul3A_515 = arith.muli %scan3A_352, %mul3A_514 : i32
      %add3A_516 = arith.constant 0 : i32
      %add3A_517 = arith.addi %add3A_516, %mul3A_515 : i32
      %swap3A_518 = arith.constant 8 : i32
      %swap3A_519 = arith.index_cast %swap3A_518 : i32 to index
      %swap3A_520 = arith.index_cast %add3A_517 : i32 to index
      %swap3A_521 = tpu.vector_load %arg11[%swap3A_519, %swap3A_520] {strides = array<i32>} : memref<16x512xf32, #tpu.memory_space<vmem>>, vector<16xf32>,
      tpu.vector_store %arg11[%swap3A_519, %swap3A_520], %add3A_513 {strides = array<i32>} : memref<16x512xf32, #tpu.memory_space<vmem>>, vector<16xf32>,
      %add3A_522 = arith.constant 9 : i32
      %add3A_523 = vector.broadcast %add3A_522 : i32 to vector<16xi32>
      %add3A_524 = arith.addi %mul3A_364, %add3A_523 : vector<16xi32>
      %gather3A_525 = tpu.vector_load_idx %arg9[%add3A_368, %add3A_524] : memref<256x128xf32, #tpu.memory_space<vmem>>[vector<16xi32>, vector<16xi32>], vector<16xf32>,
      %add3A_526 = arith.constant 9 : i32
      %add3A_527 = vector.broadcast %add3A_526 : i32 to vector<16xi32>
      %add3A_528 = arith.addi %mul3A_364, %add3A_527 : vector<16xi32>
      %gather3A_529 = tpu.vector_load_idx %arg10[%add3A_368, %add3A_528] : memref<256x128xf32, #tpu.memory_space<vmem>>[vector<16xi32>, vector<16xi32>], vector<16xf32>,
      %add3A_530 = arith.addf %gather3A_525, %gather3A_529 : vector<16xf32>
      %mul3A_531 = arith.constant 16 : i32
      %mul3A_532 = arith.muli %scan3A_352, %mul3A_531 : i32
      %add3A_533 = arith.constant 0 : i32
      %add3A_534 = arith.addi %add3A_533, %mul3A_532 : i32
      %swap3A_535 = arith.constant 9 : i32
      %swap3A_536 = arith.index_cast %swap3A_535 : i32 to index
      %swap3A_537 = arith.index_cast %add3A_534 : i32 to index
      %swap3A_538 = tpu.vector_load %arg11[%swap3A_536, %swap3A_537] {strides = array<i32>} : memref<16x512xf32, #tpu.memory_space<vmem>>, vector<16xf32>,
      tpu.vector_store %arg11[%swap3A_536, %swap3A_537], %add3A_530 {strides = array<i32>} : memref<16x512xf32, #tpu.memory_space<vmem>>, vector<16xf32>,
      %add3A_539 = arith.constant 10 : i32
      %add3A_540 = vector.broadcast %add3A_539 : i32 to vector<16xi32>
      %add3A_541 = arith.addi %mul3A_364, %add3A_540 : vector<16xi32>
      %gather3A_542 = tpu.vector_load_idx %arg9[%add3A_368, %add3A_541] : memref<256x128xf32, #tpu.memory_space<vmem>>[vector<16xi32>, vector<16xi32>], vector<16xf32>,
      %add3A_543 = arith.constant 10 : i32
      %add3A_544 = vector.broadcast %add3A_543 : i32 to vector<16xi32>
      %add3A_545 = arith.addi %mul3A_364, %add3A_544 : vector<16xi32>
      %gather3A_546 = tpu.vector_load_idx %arg10[%add3A_368, %add3A_545] : memref<256x128xf32, #tpu.memory_space<vmem>>[vector<16xi32>, vector<16xi32>], vector<16xf32>,
      %add3A_547 = arith.addf %gather3A_542, %gather3A_546 : vector<16xf32>
      %mul3A_548 = arith.constant 16 : i32
      %mul3A_549 = arith.muli %scan3A_352, %mul3A_548 : i32
      %add3A_550 = arith.constant 0 : i32
      %add3A_551 = arith.addi %add3A_550, %mul3A_549 : i32
      %swap3A_552 = arith.constant 10 : i32
      %swap3A_553 = arith.index_cast %swap3A_552 : i32 to index
      %swap3A_554 = arith.index_cast %add3A_551 : i32 to index
      %swap3A_555 = tpu.vector_load %arg11[%swap3A_553, %swap3A_554] {strides = array<i32>} : memref<16x512xf32, #tpu.memory_space<vmem>>, vector<16xf32>,
      tpu.vector_store %arg11[%swap3A_553, %swap3A_554], %add3A_547 {strides = array<i32>} : memref<16x512xf32, #tpu.memory_space<vmem>>, vector<16xf32>,
      %add3A_556 = arith.constant 11 : i32
      %add3A_557 = vector.broadcast %add3A_556 : i32 to vector<16xi32>
      %add3A_558 = arith.addi %mul3A_364, %add3A_557 : vector<16xi32>
      %gather3A_559 = tpu.vector_load_idx %arg9[%add3A_368, %add3A_558] : memref<256x128xf32, #tpu.memory_space<vmem>>[vector<16xi32>, vector<16xi32>], vector<16xf32>,
      %add3A_560 = arith.constant 11 : i32
      %add3A_561 = vector.broadcast %add3A_560 : i32 to vector<16xi32>
      %add3A_562 = arith.addi %mul3A_364, %add3A_561 : vector<16xi32>
      %gather3A_563 = tpu.vector_load_idx %arg10[%add3A_368, %add3A_562] : memref<256x128xf32, #tpu.memory_space<vmem>>[vector<16xi32>, vector<16xi32>], vector<16xf32>,
      %add3A_564 = arith.addf %gather3A_559, %gather3A_563 : vector<16xf32>
      %mul3A_565 = arith.constant 16 : i32
      %mul3A_566 = arith.muli %scan3A_352, %mul3A_565 : i32
      %add3A_567 = arith.constant 0 : i32
      %add3A_568 = arith.addi %add3A_567, %mul3A_566 : i32
      %swap3A_569 = arith.constant 11 : i32
      %swap3A_570 = arith.index_cast %swap3A_569 : i32 to index
      %swap3A_571 = arith.index_cast %add3A_568 : i32 to index
      %swap3A_572 = tpu.vector_load %arg11[%swap3A_570, %swap3A_571] {strides = array<i32>} : memref<16x512xf32, #tpu.memory_space<vmem>>, vector<16xf32>,
      tpu.vector_store %arg11[%swap3A_570, %swap3A_571], %add3A_564 {strides = array<i32>} : memref<16x512xf32, #tpu.memory_space<vmem>>, vector<16xf32>,
      %add3A_573 = arith.constant 12 : i32
      %add3A_574 = vector.broadcast %add3A_573 : i32 to vector<16xi32>
      %add3A_575 = arith.addi %mul3A_364, %add3A_574 : vector<16xi32>
      %gather3A_576 = tpu.vector_load_idx %arg9[%add3A_368, %add3A_575] : memref<256x128xf32, #tpu.memory_space<vmem>>[vector<16xi32>, vector<16xi32>], vector<16xf32>,
      %add3A_577 = arith.constant 12 : i32
      %add3A_578 = vector.broadcast %add3A_577 : i32 to vector<16xi32>
      %add3A_579 = arith.addi %mul3A_364, %add3A_578 : vector<16xi32>
      %gather3A_580 = tpu.vector_load_idx %arg10[%add3A_368, %add3A_579] : memref<256x128xf32, #tpu.memory_space<vmem>>[vector<16xi32>, vector<16xi32>], vector<16xf32>,
      %add3A_581 = arith.addf %gather3A_576, %gather3A_580 : vector<16xf32>
      %mul3A_582 = arith.constant 16 : i32
      %mul3A_583 = arith.muli %scan3A_352, %mul3A_582 : i32
      %add3A_584 = arith.constant 0 : i32
      %add3A_585 = arith.addi %add3A_584, %mul3A_583 : i32
      %swap3A_586 = arith.constant 12 : i32
      %swap3A_587 = arith.index_cast %swap3A_586 : i32 to index
      %swap3A_588 = arith.index_cast %add3A_585 : i32 to index
      %swap3A_589 = tpu.vector_load %arg11[%swap3A_587, %swap3A_588] {strides = array<i32>} : memref<16x512xf32, #tpu.memory_space<vmem>>, vector<16xf32>,
      tpu.vector_store %arg11[%swap3A_587, %swap3A_588], %add3A_581 {strides = array<i32>} : memref<16x512xf32, #tpu.memory_space<vmem>>, vector<16xf32>,
      %add3A_590 = arith.constant 13 : i32
      %add3A_591 = vector.broadcast %add3A_590 : i32 to vector<16xi32>
      %add3A_592 = arith.addi %mul3A_364, %add3A_591 : vector<16xi32>
      %gather3A_593 = tpu.vector_load_idx %arg9[%add3A_368, %add3A_592] : memref<256x128xf32, #tpu.memory_space<vmem>>[vector<16xi32>, vector<16xi32>], vector<16xf32>,
      %add3A_594 = arith.constant 13 : i32
      %add3A_595 = vector.broadcast %add3A_594 : i32 to vector<16xi32>
      %add3A_596 = arith.addi %mul3A_364, %add3A_595 : vector<16xi32>
      %gather3A_597 = tpu.vector_load_idx %arg10[%add3A_368, %add3A_596] : memref<256x128xf32, #tpu.memory_space<vmem>>[vector<16xi32>, vector<16xi32>], vector<16xf32>,
      %add3A_598 = arith.addf %gather3A_593, %gather3A_597 : vector<16xf32>
      %mul3A_599 = arith.constant 16 : i32
      %mul3A_600 = arith.muli %scan3A_352, %mul3A_599 : i32
      %add3A_601 = arith.constant 0 : i32
      %add3A_602 = arith.addi %add3A_601, %mul3A_600 : i32
      %swap3A_603 = arith.constant 13 : i32
      %swap3A_604 = arith.index_cast %swap3A_603 : i32 to index
      %swap3A_605 = arith.index_cast %add3A_602 : i32 to index
      %swap3A_606 = tpu.vector_load %arg11[%swap3A_604, %swap3A_605] {strides = array<i32>} : memref<16x512xf32, #tpu.memory_space<vmem>>, vector<16xf32>,
      tpu.vector_store %arg11[%swap3A_604, %swap3A_605], %add3A_598 {strides = array<i32>} : memref<16x512xf32, #tpu.memory_space<vmem>>, vector<16xf32>,
      %add3A_607 = arith.constant 14 : i32
      %add3A_608 = vector.broadcast %add3A_607 : i32 to vector<16xi32>
      %add3A_609 = arith.addi %mul3A_364, %add3A_608 : vector<16xi32>
      %gather3A_610 = tpu.vector_load_idx %arg9[%add3A_368, %add3A_609] : memref<256x128xf32, #tpu.memory_space<vmem>>[vector<16xi32>, vector<16xi32>], vector<16xf32>,
      %add3A_611 = arith.constant 14 : i32
      %add3A_612 = vector.broadcast %add3A_611 : i32 to vector<16xi32>
      %add3A_613 = arith.addi %mul3A_364, %add3A_612 : vector<16xi32>
      %gather3A_614 = tpu.vector_load_idx %arg10[%add3A_368, %add3A_613] : memref<256x128xf32, #tpu.memory_space<vmem>>[vector<16xi32>, vector<16xi32>], vector<16xf32>,
      %add3A_615 = arith.addf %gather3A_610, %gather3A_614 : vector<16xf32>
      %mul3A_616 = arith.constant 16 : i32
      %mul3A_617 = arith.muli %scan3A_352, %mul3A_616 : i32
      %add3A_618 = arith.constant 0 : i32
      %add3A_619 = arith.addi %add3A_618, %mul3A_617 : i32
      %swap3A_620 = arith.constant 14 : i32
      %swap3A_621 = arith.index_cast %swap3A_620 : i32 to index
      %swap3A_622 = arith.index_cast %add3A_619 : i32 to index
      %swap3A_623 = tpu.vector_load %arg11[%swap3A_621, %swap3A_622] {strides = array<i32>} : memref<16x512xf32, #tpu.memory_space<vmem>>, vector<16xf32>,
      tpu.vector_store %arg11[%swap3A_621, %swap3A_622], %add3A_615 {strides = array<i32>} : memref<16x512xf32, #tpu.memory_space<vmem>>, vector<16xf32>,
      %add3A_624 = arith.constant 15 : i32
      %add3A_625 = vector.broadcast %add3A_624 : i32 to vector<16xi32>
      %add3A_626 = arith.addi %mul3A_364, %add3A_625 : vector<16xi32>
      %gather3A_627 = tpu.vector_load_idx %arg9[%add3A_368, %add3A_626] : memref<256x128xf32, #tpu.memory_space<vmem>>[vector<16xi32>, vector<16xi32>], vector<16xf32>,
      %add3A_628 = arith.constant 15 : i32
      %add3A_629 = vector.broadcast %add3A_628 : i32 to vector<16xi32>
      %add3A_630 = arith.addi %mul3A_364, %add3A_629 : vector<16xi32>
      %gather3A_631 = tpu.vector_load_idx %arg10[%add3A_368, %add3A_630] : memref<256x128xf32, #tpu.memory_space<vmem>>[vector<16xi32>, vector<16xi32>], vector<16xf32>,
      %add3A_632 = arith.addf %gather3A_627, %gather3A_631 : vector<16xf32>
      %mul3A_633 = arith.constant 16 : i32
      %mul3A_634 = arith.muli %scan3A_352, %mul3A_633 : i32
      %add3A_635 = arith.constant 0 : i32
      %add3A_636 = arith.addi %add3A_635, %mul3A_634 : i32
      %swap3A_637 = arith.constant 15 : i32
      %swap3A_638 = arith.index_cast %swap3A_637 : i32 to index
      %swap3A_639 = arith.index_cast %add3A_636 : i32 to index
      %swap3A_640 = tpu.vector_load %arg11[%swap3A_638, %swap3A_639] {strides = array<i32>} : memref<16x512xf32, #tpu.memory_space<vmem>>, vector<16xf32>,
      tpu.vector_store %arg11[%swap3A_638, %swap3A_639], %add3A_632 {strides = array<i32>} : memref<16x512xf32, #tpu.memory_space<vmem>>, vector<16xf32>,
    }
    %scan3A_35 = arith.constant 16 : i32
    %dma_start3A_36 = arith.constant 0 : i32
    %dma_start3A_37 = arith.constant 0 : i32
    %dma_start3A_38 = arith.constant 0 : i32
    %dma_start3A_39 = tpu.memref_slice %arg3[%dma_start3A_37, %dma_start3A_38] : memref<125000x128xf32, #tpu.memory_space<hbm>> -> memref<125000x128xf32, #tpu.memory_space<hbm>>
    %dma_start3A_40 = tpu.memref_slice %arg12[%dma_start3A_36] : memref<2x!tpu.dma_semaphore, #tpu.memory_space<semaphore_mem>> -> memref<1x!tpu.dma_semaphore, #tpu.memory_space<semaphore_mem>>
    %dma_start3A_41 = tpu.memref_squeeze %dma_start3A_40 : memref<1x!tpu.dma_semaphore, #tpu.memory_space<semaphore_mem>> -> memref<!tpu.dma_semaphore, #tpu.memory_space<semaphore_mem>>
    tpu.enqueue_indirect_dma source(%dma_start3A_39 : memref<125000x128xf32, #tpu.memory_space<hbm>>) target(%arg9 : memref<256x128xf32, #tpu.memory_space<vmem>>) offsets(%arg8 : memref<256xi32, #tpu.memory_space<vmem>>) semaphore(%dma_start3A_41 : memref<!tpu.dma_semaphore, #tpu.memory_space<semaphore_mem>>)
    %dma_start3A_42 = arith.constant 1 : i32
    %dma_start3A_43 = arith.constant 0 : i32
    %dma_start3A_44 = arith.constant 0 : i32
    %dma_start3A_45 = tpu.memref_slice %arg4[%dma_start3A_43, %dma_start3A_44] : memref<125000x128xf32, #tpu.memory_space<hbm>> -> memref<125000x128xf32, #tpu.memory_space<hbm>>
    %dma_start3A_46 = tpu.memref_slice %arg12[%dma_start3A_42] : memref<2x!tpu.dma_semaphore, #tpu.memory_space<semaphore_mem>> -> memref<1x!tpu.dma_semaphore, #tpu.memory_space<semaphore_mem>>
    %dma_start3A_47 = tpu.memref_squeeze %dma_start3A_46 : memref<1x!tpu.dma_semaphore, #tpu.memory_space<semaphore_mem>> -> memref<!tpu.dma_semaphore, #tpu.memory_space<semaphore_mem>>
    tpu.enqueue_indirect_dma source(%dma_start3A_45 : memref<125000x128xf32, #tpu.memory_space<hbm>>) target(%arg10 : memref<256x128xf32, #tpu.memory_space<vmem>>) offsets(%arg8 : memref<256xi32, #tpu.memory_space<vmem>>) semaphore(%dma_start3A_47 : memref<!tpu.dma_semaphore, #tpu.memory_space<semaphore_mem>>)
    %dma_wait3A_48 = arith.constant 0 : i32
    %dma_wait3A_49 = arith.constant 0 : i32
    %dma_wait3A_50 = arith.constant 0 : i32
    %dma_wait3A_51 = tpu.memref_slice %arg3[%dma_wait3A_49, %dma_wait3A_50] : memref<125000x128xf32, #tpu.memory_space<hbm>> -> memref<125000x128xf32, #tpu.memory_space<hbm>>
    %dma_wait3A_52 = tpu.memref_slice %arg12[%dma_wait3A_48] : memref<2x!tpu.dma_semaphore, #tpu.memory_space<semaphore_mem>> -> memref<1x!tpu.dma_semaphore, #tpu.memory_space<semaphore_mem>>
    %dma_wait3A_53 = tpu.memref_squeeze %dma_wait3A_52 : memref<1x!tpu.dma_semaphore, #tpu.memory_space<semaphore_mem>> -> memref<!tpu.dma_semaphore, #tpu.memory_space<semaphore_mem>>
    tpu.wait_indirect_dma semaphore(%dma_wait3A_53 : memref<!tpu.dma_semaphore, #tpu.memory_space<semaphore_mem>>) src(%dma_wait3A_51 : memref<125000x128xf32, #tpu.memory_space<hbm>>) dst(%arg9 : memref<256x128xf32, #tpu.memory_space<vmem>>)
    %dma_wait3A_54 = arith.constant 1 : i32
    %dma_wait3A_55 = arith.constant 0 : i32
    %dma_wait3A_56 = arith.constant 0 : i32
    %dma_wait3A_57 = tpu.memref_slice %arg4[%dma_wait3A_55, %dma_wait3A_56] : memref<125000x128xf32, #tpu.memory_space<hbm>> -> memref<125000x128xf32, #tpu.memory_space<hbm>>
    %dma_wait3A_58 = tpu.memref_slice %arg12[%dma_wait3A_54] : memref<2x!tpu.dma_semaphore, #tpu.memory_space<semaphore_mem>> -> memref<1x!tpu.dma_semaphore, #tpu.memory_space<semaphore_mem>>
    %dma_wait3A_59 = tpu.memref_squeeze %dma_wait3A_58 : memref<1x!tpu.dma_semaphore, #tpu.memory_space<semaphore_mem>> -> memref<!tpu.dma_semaphore, #tpu.memory_space<semaphore_mem>>
    tpu.wait_indirect_dma semaphore(%dma_wait3A_59 : memref<!tpu.dma_semaphore, #tpu.memory_space<semaphore_mem>>) src(%dma_wait3A_57 : memref<125000x128xf32, #tpu.memory_space<hbm>>) dst(%arg10 : memref<256x128xf32, #tpu.memory_space<vmem>>)
    %scan3A_60 = arith.constant 0 : i32
    %scan3A_61 = arith.constant 0 : i32
    %scan3A_62 = arith.constant 16 : i32
    %scan3A_63 = arith.addi %scan3A_61, %scan3A_62 : i32
    %scan3A_64 = arith.constant 2 : i32
    scf.for %scan3A_66 = %scan3A_61 to %scan3A_63 step %scan3A_64  : i32 {
      %mul3A_67 = arith.constant 16 : i32
      %mul3A_68 = arith.muli %scan3A_66, %mul3A_67 : i32
      %add3A_69 = arith.constant 256 : i32
      %add3A_70 = arith.addi %add3A_69, %mul3A_68 : i32
      %get3A = arith.index_cast %add3A_70 : i32 to index
      %get3A_71 = tpu.vector_load %arg6[%get3A] {strides = array<i32>} : memref<512xi32, #tpu.memory_space<vmem>>, vector<16xi32>,
      %and3A = arith.constant 7 : i32
      %and3A_72 = vector.broadcast %and3A : i32 to vector<16xi32>
      %and3A_73 = arith.andi %get3A_71, %and3A_72 : vector<16xi32>
      %mul3A_74 = arith.constant 16 : i32
      %mul3A_75 = vector.broadcast %mul3A_74 : i32 to vector<16xi32>
      %mul3A_76 = arith.muli %and3A_73, %mul3A_75 : vector<16xi32>
      %mul3A_77 = arith.constant 16 : i32
      %mul3A_78 = arith.muli %scan3A_66, %mul3A_77 : i32
      %add3A_79 = vector.broadcast %mul3A_78 : i32 to vector<16xi32>
      %add3A_80 = arith.addi %iota3A, %add3A_79 : vector<16xi32>
      %add3A_81 = arith.constant 0 : i32
      %add3A_82 = vector.broadcast %add3A_81 : i32 to vector<16xi32>
      %add3A_83 = arith.addi %mul3A_76, %add3A_82 : vector<16xi32>
      %gather3A = tpu.vector_load_idx %arg9[%add3A_80, %add3A_83] : memref<256x128xf32, #tpu.memory_space<vmem>>[vector<16xi32>, vector<16xi32>], vector<16xf32>,
      %add3A_84 = arith.constant 0 : i32
      %add3A_85 = vector.broadcast %add3A_84 : i32 to vector<16xi32>
      %add3A_86 = arith.addi %mul3A_76, %add3A_85 : vector<16xi32>
      %gather3A_87 = tpu.vector_load_idx %arg10[%add3A_80, %add3A_86] : memref<256x128xf32, #tpu.memory_space<vmem>>[vector<16xi32>, vector<16xi32>], vector<16xf32>,
      %add3A_88 = arith.addf %gather3A, %gather3A_87 : vector<16xf32>
      %mul3A_89 = arith.constant 16 : i32
      %mul3A_90 = arith.muli %scan3A_66, %mul3A_89 : i32
      %add3A_91 = arith.constant 256 : i32
      %add3A_92 = arith.addi %add3A_91, %mul3A_90 : i32
      %swap3A = arith.constant 0 : i32
      %swap3A_93 = arith.index_cast %swap3A : i32 to index
      %swap3A_94 = arith.index_cast %add3A_92 : i32 to index
      %swap3A_95 = tpu.vector_load %arg11[%swap3A_93, %swap3A_94] {strides = array<i32>} : memref<16x512xf32, #tpu.memory_space<vmem>>, vector<16xf32>,
      tpu.vector_store %arg11[%swap3A_93, %swap3A_94], %add3A_88 {strides = array<i32>} : memref<16x512xf32, #tpu.memory_space<vmem>>, vector<16xf32>,
      %add3A_96 = arith.constant 1 : i32
      %add3A_97 = vector.broadcast %add3A_96 : i32 to vector<16xi32>
      %add3A_98 = arith.addi %mul3A_76, %add3A_97 : vector<16xi32>
      %gather3A_99 = tpu.vector_load_idx %arg9[%add3A_80, %add3A_98] : memref<256x128xf32, #tpu.memory_space<vmem>>[vector<16xi32>, vector<16xi32>], vector<16xf32>,
      %add3A_100 = arith.constant 1 : i32
      %add3A_101 = vector.broadcast %add3A_100 : i32 to vector<16xi32>
      %add3A_102 = arith.addi %mul3A_76, %add3A_101 : vector<16xi32>
      %gather3A_103 = tpu.vector_load_idx %arg10[%add3A_80, %add3A_102] : memref<256x128xf32, #tpu.memory_space<vmem>>[vector<16xi32>, vector<16xi32>], vector<16xf32>,
      %add3A_104 = arith.addf %gather3A_99, %gather3A_103 : vector<16xf32>
      %mul3A_105 = arith.constant 16 : i32
      %mul3A_106 = arith.muli %scan3A_66, %mul3A_105 : i32
      %add3A_107 = arith.constant 256 : i32
      %add3A_108 = arith.addi %add3A_107, %mul3A_106 : i32
      %swap3A_109 = arith.constant 1 : i32
      %swap3A_110 = arith.index_cast %swap3A_109 : i32 to index
      %swap3A_111 = arith.index_cast %add3A_108 : i32 to index
      %swap3A_112 = tpu.vector_load %arg11[%swap3A_110, %swap3A_111] {strides = array<i32>} : memref<16x512xf32, #tpu.memory_space<vmem>>, vector<16xf32>,
      tpu.vector_store %arg11[%swap3A_110, %swap3A_111], %add3A_104 {strides = array<i32>} : memref<16x512xf32, #tpu.memory_space<vmem>>, vector<16xf32>,
      %add3A_113 = arith.constant 2 : i32
      %add3A_114 = vector.broadcast %add3A_113 : i32 to vector<16xi32>
      %add3A_115 = arith.addi %mul3A_76, %add3A_114 : vector<16xi32>
      %gather3A_116 = tpu.vector_load_idx %arg9[%add3A_80, %add3A_115] : memref<256x128xf32, #tpu.memory_space<vmem>>[vector<16xi32>, vector<16xi32>], vector<16xf32>,
      %add3A_117 = arith.constant 2 : i32
      %add3A_118 = vector.broadcast %add3A_117 : i32 to vector<16xi32>
      %add3A_119 = arith.addi %mul3A_76, %add3A_118 : vector<16xi32>
      %gather3A_120 = tpu.vector_load_idx %arg10[%add3A_80, %add3A_119] : memref<256x128xf32, #tpu.memory_space<vmem>>[vector<16xi32>, vector<16xi32>], vector<16xf32>,
      %add3A_121 = arith.addf %gather3A_116, %gather3A_120 : vector<16xf32>
      %mul3A_122 = arith.constant 16 : i32
      %mul3A_123 = arith.muli %scan3A_66, %mul3A_122 : i32
      %add3A_124 = arith.constant 256 : i32
      %add3A_125 = arith.addi %add3A_124, %mul3A_123 : i32
      %swap3A_126 = arith.constant 2 : i32
      %swap3A_127 = arith.index_cast %swap3A_126 : i32 to index
      %swap3A_128 = arith.index_cast %add3A_125 : i32 to index
      %swap3A_129 = tpu.vector_load %arg11[%swap3A_127, %swap3A_128] {strides = array<i32>} : memref<16x512xf32, #tpu.memory_space<vmem>>, vector<16xf32>,
      tpu.vector_store %arg11[%swap3A_127, %swap3A_128], %add3A_121 {strides = array<i32>} : memref<16x512xf32, #tpu.memory_space<vmem>>, vector<16xf32>,
      %add3A_130 = arith.constant 3 : i32
      %add3A_131 = vector.broadcast %add3A_130 : i32 to vector<16xi32>
      %add3A_132 = arith.addi %mul3A_76, %add3A_131 : vector<16xi32>
      %gather3A_133 = tpu.vector_load_idx %arg9[%add3A_80, %add3A_132] : memref<256x128xf32, #tpu.memory_space<vmem>>[vector<16xi32>, vector<16xi32>], vector<16xf32>,
      %add3A_134 = arith.constant 3 : i32
      %add3A_135 = vector.broadcast %add3A_134 : i32 to vector<16xi32>
      %add3A_136 = arith.addi %mul3A_76, %add3A_135 : vector<16xi32>
      %gather3A_137 = tpu.vector_load_idx %arg10[%add3A_80, %add3A_136] : memref<256x128xf32, #tpu.memory_space<vmem>>[vector<16xi32>, vector<16xi32>], vector<16xf32>,
      %add3A_138 = arith.addf %gather3A_133, %gather3A_137 : vector<16xf32>
      %mul3A_139 = arith.constant 16 : i32
      %mul3A_140 = arith.muli %scan3A_66, %mul3A_139 : i32
      %add3A_141 = arith.constant 256 : i32
      %add3A_142 = arith.addi %add3A_141, %mul3A_140 : i32
      %swap3A_143 = arith.constant 3 : i32
      %swap3A_144 = arith.index_cast %swap3A_143 : i32 to index
      %swap3A_145 = arith.index_cast %add3A_142 : i32 to index
      %swap3A_146 = tpu.vector_load %arg11[%swap3A_144, %swap3A_145] {strides = array<i32>} : memref<16x512xf32, #tpu.memory_space<vmem>>, vector<16xf32>,
      tpu.vector_store %arg11[%swap3A_144, %swap3A_145], %add3A_138 {strides = array<i32>} : memref<16x512xf32, #tpu.memory_space<vmem>>, vector<16xf32>,
      %add3A_147 = arith.constant 4 : i32
      %add3A_148 = vector.broadcast %add3A_147 : i32 to vector<16xi32>
      %add3A_149 = arith.addi %mul3A_76, %add3A_148 : vector<16xi32>
      %gather3A_150 = tpu.vector_load_idx %arg9[%add3A_80, %add3A_149] : memref<256x128xf32, #tpu.memory_space<vmem>>[vector<16xi32>, vector<16xi32>], vector<16xf32>,
      %add3A_151 = arith.constant 4 : i32
      %add3A_152 = vector.broadcast %add3A_151 : i32 to vector<16xi32>
      %add3A_153 = arith.addi %mul3A_76, %add3A_152 : vector<16xi32>
      %gather3A_154 = tpu.vector_load_idx %arg10[%add3A_80, %add3A_153] : memref<256x128xf32, #tpu.memory_space<vmem>>[vector<16xi32>, vector<16xi32>], vector<16xf32>,
      %add3A_155 = arith.addf %gather3A_150, %gather3A_154 : vector<16xf32>
      %mul3A_156 = arith.constant 16 : i32
      %mul3A_157 = arith.muli %scan3A_66, %mul3A_156 : i32
      %add3A_158 = arith.constant 256 : i32
      %add3A_159 = arith.addi %add3A_158, %mul3A_157 : i32
      %swap3A_160 = arith.constant 4 : i32
      %swap3A_161 = arith.index_cast %swap3A_160 : i32 to index
      %swap3A_162 = arith.index_cast %add3A_159 : i32 to index
      %swap3A_163 = tpu.vector_load %arg11[%swap3A_161, %swap3A_162] {strides = array<i32>} : memref<16x512xf32, #tpu.memory_space<vmem>>, vector<16xf32>,
      tpu.vector_store %arg11[%swap3A_161, %swap3A_162], %add3A_155 {strides = array<i32>} : memref<16x512xf32, #tpu.memory_space<vmem>>, vector<16xf32>,
      %add3A_164 = arith.constant 5 : i32
      %add3A_165 = vector.broadcast %add3A_164 : i32 to vector<16xi32>
      %add3A_166 = arith.addi %mul3A_76, %add3A_165 : vector<16xi32>
      %gather3A_167 = tpu.vector_load_idx %arg9[%add3A_80, %add3A_166] : memref<256x128xf32, #tpu.memory_space<vmem>>[vector<16xi32>, vector<16xi32>], vector<16xf32>,
      %add3A_168 = arith.constant 5 : i32
      %add3A_169 = vector.broadcast %add3A_168 : i32 to vector<16xi32>
      %add3A_170 = arith.addi %mul3A_76, %add3A_169 : vector<16xi32>
      %gather3A_171 = tpu.vector_load_idx %arg10[%add3A_80, %add3A_170] : memref<256x128xf32, #tpu.memory_space<vmem>>[vector<16xi32>, vector<16xi32>], vector<16xf32>,
      %add3A_172 = arith.addf %gather3A_167, %gather3A_171 : vector<16xf32>
      %mul3A_173 = arith.constant 16 : i32
      %mul3A_174 = arith.muli %scan3A_66, %mul3A_173 : i32
      %add3A_175 = arith.constant 256 : i32
      %add3A_176 = arith.addi %add3A_175, %mul3A_174 : i32
      %swap3A_177 = arith.constant 5 : i32
      %swap3A_178 = arith.index_cast %swap3A_177 : i32 to index
      %swap3A_179 = arith.index_cast %add3A_176 : i32 to index
      %swap3A_180 = tpu.vector_load %arg11[%swap3A_178, %swap3A_179] {strides = array<i32>} : memref<16x512xf32, #tpu.memory_space<vmem>>, vector<16xf32>,
      tpu.vector_store %arg11[%swap3A_178, %swap3A_179], %add3A_172 {strides = array<i32>} : memref<16x512xf32, #tpu.memory_space<vmem>>, vector<16xf32>,
      %add3A_181 = arith.constant 6 : i32
      %add3A_182 = vector.broadcast %add3A_181 : i32 to vector<16xi32>
      %add3A_183 = arith.addi %mul3A_76, %add3A_182 : vector<16xi32>
      %gather3A_184 = tpu.vector_load_idx %arg9[%add3A_80, %add3A_183] : memref<256x128xf32, #tpu.memory_space<vmem>>[vector<16xi32>, vector<16xi32>], vector<16xf32>,
      %add3A_185 = arith.constant 6 : i32
      %add3A_186 = vector.broadcast %add3A_185 : i32 to vector<16xi32>
      %add3A_187 = arith.addi %mul3A_76, %add3A_186 : vector<16xi32>
      %gather3A_188 = tpu.vector_load_idx %arg10[%add3A_80, %add3A_187] : memref<256x128xf32, #tpu.memory_space<vmem>>[vector<16xi32>, vector<16xi32>], vector<16xf32>,
      %add3A_189 = arith.addf %gather3A_184, %gather3A_188 : vector<16xf32>
      %mul3A_190 = arith.constant 16 : i32
      %mul3A_191 = arith.muli %scan3A_66, %mul3A_190 : i32
      %add3A_192 = arith.constant 256 : i32
      %add3A_193 = arith.addi %add3A_192, %mul3A_191 : i32
      %swap3A_194 = arith.constant 6 : i32
      %swap3A_195 = arith.index_cast %swap3A_194 : i32 to index
      %swap3A_196 = arith.index_cast %add3A_193 : i32 to index
      %swap3A_197 = tpu.vector_load %arg11[%swap3A_195, %swap3A_196] {strides = array<i32>} : memref<16x512xf32, #tpu.memory_space<vmem>>, vector<16xf32>,
      tpu.vector_store %arg11[%swap3A_195, %swap3A_196], %add3A_189 {strides = array<i32>} : memref<16x512xf32, #tpu.memory_space<vmem>>, vector<16xf32>,
      %add3A_198 = arith.constant 7 : i32
      %add3A_199 = vector.broadcast %add3A_198 : i32 to vector<16xi32>
      %add3A_200 = arith.addi %mul3A_76, %add3A_199 : vector<16xi32>
      %gather3A_201 = tpu.vector_load_idx %arg9[%add3A_80, %add3A_200] : memref<256x128xf32, #tpu.memory_space<vmem>>[vector<16xi32>, vector<16xi32>], vector<16xf32>,
      %add3A_202 = arith.constant 7 : i32
      %add3A_203 = vector.broadcast %add3A_202 : i32 to vector<16xi32>
      %add3A_204 = arith.addi %mul3A_76, %add3A_203 : vector<16xi32>
      %gather3A_205 = tpu.vector_load_idx %arg10[%add3A_80, %add3A_204] : memref<256x128xf32, #tpu.memory_space<vmem>>[vector<16xi32>, vector<16xi32>], vector<16xf32>,
      %add3A_206 = arith.addf %gather3A_201, %gather3A_205 : vector<16xf32>
      %mul3A_207 = arith.constant 16 : i32
      %mul3A_208 = arith.muli %scan3A_66, %mul3A_207 : i32
      %add3A_209 = arith.constant 256 : i32
      %add3A_210 = arith.addi %add3A_209, %mul3A_208 : i32
      %swap3A_211 = arith.constant 7 : i32
      %swap3A_212 = arith.index_cast %swap3A_211 : i32 to index
      %swap3A_213 = arith.index_cast %add3A_210 : i32 to index
      %swap3A_214 = tpu.vector_load %arg11[%swap3A_212, %swap3A_213] {strides = array<i32>} : memref<16x512xf32, #tpu.memory_space<vmem>>, vector<16xf32>,
      tpu.vector_store %arg11[%swap3A_212, %swap3A_213], %add3A_206 {strides = array<i32>} : memref<16x512xf32, #tpu.memory_space<vmem>>, vector<16xf32>,
      %add3A_215 = arith.constant 8 : i32
      %add3A_216 = vector.broadcast %add3A_215 : i32 to vector<16xi32>
      %add3A_217 = arith.addi %mul3A_76, %add3A_216 : vector<16xi32>
      %gather3A_218 = tpu.vector_load_idx %arg9[%add3A_80, %add3A_217] : memref<256x128xf32, #tpu.memory_space<vmem>>[vector<16xi32>, vector<16xi32>], vector<16xf32>,
      %add3A_219 = arith.constant 8 : i32
      %add3A_220 = vector.broadcast %add3A_219 : i32 to vector<16xi32>
      %add3A_221 = arith.addi %mul3A_76, %add3A_220 : vector<16xi32>
      %gather3A_222 = tpu.vector_load_idx %arg10[%add3A_80, %add3A_221] : memref<256x128xf32, #tpu.memory_space<vmem>>[vector<16xi32>, vector<16xi32>], vector<16xf32>,
      %add3A_223 = arith.addf %gather3A_218, %gather3A_222 : vector<16xf32>
      %mul3A_224 = arith.constant 16 : i32
      %mul3A_225 = arith.muli %scan3A_66, %mul3A_224 : i32
      %add3A_226 = arith.constant 256 : i32
      %add3A_227 = arith.addi %add3A_226, %mul3A_225 : i32
      %swap3A_228 = arith.constant 8 : i32
      %swap3A_229 = arith.index_cast %swap3A_228 : i32 to index
      %swap3A_230 = arith.index_cast %add3A_227 : i32 to index
      %swap3A_231 = tpu.vector_load %arg11[%swap3A_229, %swap3A_230] {strides = array<i32>} : memref<16x512xf32, #tpu.memory_space<vmem>>, vector<16xf32>,
      tpu.vector_store %arg11[%swap3A_229, %swap3A_230], %add3A_223 {strides = array<i32>} : memref<16x512xf32, #tpu.memory_space<vmem>>, vector<16xf32>,
      %add3A_232 = arith.constant 9 : i32
      %add3A_233 = vector.broadcast %add3A_232 : i32 to vector<16xi32>
      %add3A_234 = arith.addi %mul3A_76, %add3A_233 : vector<16xi32>
      %gather3A_235 = tpu.vector_load_idx %arg9[%add3A_80, %add3A_234] : memref<256x128xf32, #tpu.memory_space<vmem>>[vector<16xi32>, vector<16xi32>], vector<16xf32>,
      %add3A_236 = arith.constant 9 : i32
      %add3A_237 = vector.broadcast %add3A_236 : i32 to vector<16xi32>
      %add3A_238 = arith.addi %mul3A_76, %add3A_237 : vector<16xi32>
      %gather3A_239 = tpu.vector_load_idx %arg10[%add3A_80, %add3A_238] : memref<256x128xf32, #tpu.memory_space<vmem>>[vector<16xi32>, vector<16xi32>], vector<16xf32>,
      %add3A_240 = arith.addf %gather3A_235, %gather3A_239 : vector<16xf32>
      %mul3A_241 = arith.constant 16 : i32
      %mul3A_242 = arith.muli %scan3A_66, %mul3A_241 : i32
      %add3A_243 = arith.constant 256 : i32
      %add3A_244 = arith.addi %add3A_243, %mul3A_242 : i32
      %swap3A_245 = arith.constant 9 : i32
      %swap3A_246 = arith.index_cast %swap3A_245 : i32 to index
      %swap3A_247 = arith.index_cast %add3A_244 : i32 to index
      %swap3A_248 = tpu.vector_load %arg11[%swap3A_246, %swap3A_247] {strides = array<i32>} : memref<16x512xf32, #tpu.memory_space<vmem>>, vector<16xf32>,
      tpu.vector_store %arg11[%swap3A_246, %swap3A_247], %add3A_240 {strides = array<i32>} : memref<16x512xf32, #tpu.memory_space<vmem>>, vector<16xf32>,
      %add3A_249 = arith.constant 10 : i32
      %add3A_250 = vector.broadcast %add3A_249 : i32 to vector<16xi32>
      %add3A_251 = arith.addi %mul3A_76, %add3A_250 : vector<16xi32>
      %gather3A_252 = tpu.vector_load_idx %arg9[%add3A_80, %add3A_251] : memref<256x128xf32, #tpu.memory_space<vmem>>[vector<16xi32>, vector<16xi32>], vector<16xf32>,
      %add3A_253 = arith.constant 10 : i32
      %add3A_254 = vector.broadcast %add3A_253 : i32 to vector<16xi32>
      %add3A_255 = arith.addi %mul3A_76, %add3A_254 : vector<16xi32>
      %gather3A_256 = tpu.vector_load_idx %arg10[%add3A_80, %add3A_255] : memref<256x128xf32, #tpu.memory_space<vmem>>[vector<16xi32>, vector<16xi32>], vector<16xf32>,
      %add3A_257 = arith.addf %gather3A_252, %gather3A_256 : vector<16xf32>
      %mul3A_258 = arith.constant 16 : i32
      %mul3A_259 = arith.muli %scan3A_66, %mul3A_258 : i32
      %add3A_260 = arith.constant 256 : i32
      %add3A_261 = arith.addi %add3A_260, %mul3A_259 : i32
      %swap3A_262 = arith.constant 10 : i32
      %swap3A_263 = arith.index_cast %swap3A_262 : i32 to index
      %swap3A_264 = arith.index_cast %add3A_261 : i32 to index
      %swap3A_265 = tpu.vector_load %arg11[%swap3A_263, %swap3A_264] {strides = array<i32>} : memref<16x512xf32, #tpu.memory_space<vmem>>, vector<16xf32>,
      tpu.vector_store %arg11[%swap3A_263, %swap3A_264], %add3A_257 {strides = array<i32>} : memref<16x512xf32, #tpu.memory_space<vmem>>, vector<16xf32>,
      %add3A_266 = arith.constant 11 : i32
      %add3A_267 = vector.broadcast %add3A_266 : i32 to vector<16xi32>
      %add3A_268 = arith.addi %mul3A_76, %add3A_267 : vector<16xi32>
      %gather3A_269 = tpu.vector_load_idx %arg9[%add3A_80, %add3A_268] : memref<256x128xf32, #tpu.memory_space<vmem>>[vector<16xi32>, vector<16xi32>], vector<16xf32>,
      %add3A_270 = arith.constant 11 : i32
      %add3A_271 = vector.broadcast %add3A_270 : i32 to vector<16xi32>
      %add3A_272 = arith.addi %mul3A_76, %add3A_271 : vector<16xi32>
      %gather3A_273 = tpu.vector_load_idx %arg10[%add3A_80, %add3A_272] : memref<256x128xf32, #tpu.memory_space<vmem>>[vector<16xi32>, vector<16xi32>], vector<16xf32>,
      %add3A_274 = arith.addf %gather3A_269, %gather3A_273 : vector<16xf32>
      %mul3A_275 = arith.constant 16 : i32
      %mul3A_276 = arith.muli %scan3A_66, %mul3A_275 : i32
      %add3A_277 = arith.constant 256 : i32
      %add3A_278 = arith.addi %add3A_277, %mul3A_276 : i32
      %swap3A_279 = arith.constant 11 : i32
      %swap3A_280 = arith.index_cast %swap3A_279 : i32 to index
      %swap3A_281 = arith.index_cast %add3A_278 : i32 to index
      %swap3A_282 = tpu.vector_load %arg11[%swap3A_280, %swap3A_281] {strides = array<i32>} : memref<16x512xf32, #tpu.memory_space<vmem>>, vector<16xf32>,
      tpu.vector_store %arg11[%swap3A_280, %swap3A_281], %add3A_274 {strides = array<i32>} : memref<16x512xf32, #tpu.memory_space<vmem>>, vector<16xf32>,
      %add3A_283 = arith.constant 12 : i32
      %add3A_284 = vector.broadcast %add3A_283 : i32 to vector<16xi32>
      %add3A_285 = arith.addi %mul3A_76, %add3A_284 : vector<16xi32>
      %gather3A_286 = tpu.vector_load_idx %arg9[%add3A_80, %add3A_285] : memref<256x128xf32, #tpu.memory_space<vmem>>[vector<16xi32>, vector<16xi32>], vector<16xf32>,
      %add3A_287 = arith.constant 12 : i32
      %add3A_288 = vector.broadcast %add3A_287 : i32 to vector<16xi32>
      %add3A_289 = arith.addi %mul3A_76, %add3A_288 : vector<16xi32>
      %gather3A_290 = tpu.vector_load_idx %arg10[%add3A_80, %add3A_289] : memref<256x128xf32, #tpu.memory_space<vmem>>[vector<16xi32>, vector<16xi32>], vector<16xf32>,
      %add3A_291 = arith.addf %gather3A_286, %gather3A_290 : vector<16xf32>
      %mul3A_292 = arith.constant 16 : i32
      %mul3A_293 = arith.muli %scan3A_66, %mul3A_292 : i32
      %add3A_294 = arith.constant 256 : i32
      %add3A_295 = arith.addi %add3A_294, %mul3A_293 : i32
      %swap3A_296 = arith.constant 12 : i32
      %swap3A_297 = arith.index_cast %swap3A_296 : i32 to index
      %swap3A_298 = arith.index_cast %add3A_295 : i32 to index
      %swap3A_299 = tpu.vector_load %arg11[%swap3A_297, %swap3A_298] {strides = array<i32>} : memref<16x512xf32, #tpu.memory_space<vmem>>, vector<16xf32>,
      tpu.vector_store %arg11[%swap3A_297, %swap3A_298], %add3A_291 {strides = array<i32>} : memref<16x512xf32, #tpu.memory_space<vmem>>, vector<16xf32>,
      %add3A_300 = arith.constant 13 : i32
      %add3A_301 = vector.broadcast %add3A_300 : i32 to vector<16xi32>
      %add3A_302 = arith.addi %mul3A_76, %add3A_301 : vector<16xi32>
      %gather3A_303 = tpu.vector_load_idx %arg9[%add3A_80, %add3A_302] : memref<256x128xf32, #tpu.memory_space<vmem>>[vector<16xi32>, vector<16xi32>], vector<16xf32>,
      %add3A_304 = arith.constant 13 : i32
      %add3A_305 = vector.broadcast %add3A_304 : i32 to vector<16xi32>
      %add3A_306 = arith.addi %mul3A_76, %add3A_305 : vector<16xi32>
      %gather3A_307 = tpu.vector_load_idx %arg10[%add3A_80, %add3A_306] : memref<256x128xf32, #tpu.memory_space<vmem>>[vector<16xi32>, vector<16xi32>], vector<16xf32>,
      %add3A_308 = arith.addf %gather3A_303, %gather3A_307 : vector<16xf32>
      %mul3A_309 = arith.constant 16 : i32
      %mul3A_310 = arith.muli %scan3A_66, %mul3A_309 : i32
      %add3A_311 = arith.constant 256 : i32
      %add3A_312 = arith.addi %add3A_311, %mul3A_310 : i32
      %swap3A_313 = arith.constant 13 : i32
      %swap3A_314 = arith.index_cast %swap3A_313 : i32 to index
      %swap3A_315 = arith.index_cast %add3A_312 : i32 to index
      %swap3A_316 = tpu.vector_load %arg11[%swap3A_314, %swap3A_315] {strides = array<i32>} : memref<16x512xf32, #tpu.memory_space<vmem>>, vector<16xf32>,
      tpu.vector_store %arg11[%swap3A_314, %swap3A_315], %add3A_308 {strides = array<i32>} : memref<16x512xf32, #tpu.memory_space<vmem>>, vector<16xf32>,
      %add3A_317 = arith.constant 14 : i32
      %add3A_318 = vector.broadcast %add3A_317 : i32 to vector<16xi32>
      %add3A_319 = arith.addi %mul3A_76, %add3A_318 : vector<16xi32>
      %gather3A_320 = tpu.vector_load_idx %arg9[%add3A_80, %add3A_319] : memref<256x128xf32, #tpu.memory_space<vmem>>[vector<16xi32>, vector<16xi32>], vector<16xf32>,
      %add3A_321 = arith.constant 14 : i32
      %add3A_322 = vector.broadcast %add3A_321 : i32 to vector<16xi32>
      %add3A_323 = arith.addi %mul3A_76, %add3A_322 : vector<16xi32>
      %gather3A_324 = tpu.vector_load_idx %arg10[%add3A_80, %add3A_323] : memref<256x128xf32, #tpu.memory_space<vmem>>[vector<16xi32>, vector<16xi32>], vector<16xf32>,
      %add3A_325 = arith.addf %gather3A_320, %gather3A_324 : vector<16xf32>
      %mul3A_326 = arith.constant 16 : i32
      %mul3A_327 = arith.muli %scan3A_66, %mul3A_326 : i32
      %add3A_328 = arith.constant 256 : i32
      %add3A_329 = arith.addi %add3A_328, %mul3A_327 : i32
      %swap3A_330 = arith.constant 14 : i32
      %swap3A_331 = arith.index_cast %swap3A_330 : i32 to index
      %swap3A_332 = arith.index_cast %add3A_329 : i32 to index
      %swap3A_333 = tpu.vector_load %arg11[%swap3A_331, %swap3A_332] {strides = array<i32>} : memref<16x512xf32, #tpu.memory_space<vmem>>, vector<16xf32>,
      tpu.vector_store %arg11[%swap3A_331, %swap3A_332], %add3A_325 {strides = array<i32>} : memref<16x512xf32, #tpu.memory_space<vmem>>, vector<16xf32>,
      %add3A_334 = arith.constant 15 : i32
      %add3A_335 = vector.broadcast %add3A_334 : i32 to vector<16xi32>
      %add3A_336 = arith.addi %mul3A_76, %add3A_335 : vector<16xi32>
      %gather3A_337 = tpu.vector_load_idx %arg9[%add3A_80, %add3A_336] : memref<256x128xf32, #tpu.memory_space<vmem>>[vector<16xi32>, vector<16xi32>], vector<16xf32>,
      %add3A_338 = arith.constant 15 : i32
      %add3A_339 = vector.broadcast %add3A_338 : i32 to vector<16xi32>
      %add3A_340 = arith.addi %mul3A_76, %add3A_339 : vector<16xi32>
      %gather3A_341 = tpu.vector_load_idx %arg10[%add3A_80, %add3A_340] : memref<256x128xf32, #tpu.memory_space<vmem>>[vector<16xi32>, vector<16xi32>], vector<16xf32>,
      %add3A_342 = arith.addf %gather3A_337, %gather3A_341 : vector<16xf32>
      %mul3A_343 = arith.constant 16 : i32
      %mul3A_344 = arith.muli %scan3A_66, %mul3A_343 : i32
      %add3A_345 = arith.constant 256 : i32
      %add3A_346 = arith.addi %add3A_345, %mul3A_344 : i32
      %swap3A_347 = arith.constant 15 : i32
      %swap3A_348 = arith.index_cast %swap3A_347 : i32 to index
      %swap3A_349 = arith.index_cast %add3A_346 : i32 to index
      %swap3A_350 = tpu.vector_load %arg11[%swap3A_348, %swap3A_349] {strides = array<i32>} : memref<16x512xf32, #tpu.memory_space<vmem>>, vector<16xf32>,
      tpu.vector_store %arg11[%swap3A_348, %swap3A_349], %add3A_342 {strides = array<i32>} : memref<16x512xf32, #tpu.memory_space<vmem>>, vector<16xf32>,
      %scan3A_351 = arith.constant 1 : i32
      %scan3A_352 = arith.addi %scan3A_66, %scan3A_351 : i32
      %mul3A_353 = arith.constant 16 : i32
      %mul3A_354 = arith.muli %scan3A_352, %mul3A_353 : i32
      %add3A_355 = arith.constant 256 : i32
      %add3A_356 = arith.addi %add3A_355, %mul3A_354 : i32
      %get3A_357 = arith.index_cast %add3A_356 : i32 to index
      %get3A_358 = tpu.vector_load %arg6[%get3A_357] {strides = array<i32>} : memref<512xi32, #tpu.memory_space<vmem>>, vector<16xi32>,
      %and3A_359 = arith.constant 7 : i32
      %and3A_360 = vector.broadcast %and3A_359 : i32 to vector<16xi32>
      %and3A_361 = arith.andi %get3A_358, %and3A_360 : vector<16xi32>
      %mul3A_362 = arith.constant 16 : i32
      %mul3A_363 = vector.broadcast %mul3A_362 : i32 to vector<16xi32>
      %mul3A_364 = arith.muli %and3A_361, %mul3A_363 : vector<16xi32>
      %mul3A_365 = arith.constant 16 : i32
      %mul3A_366 = arith.muli %scan3A_352, %mul3A_365 : i32
      %add3A_367 = vector.broadcast %mul3A_366 : i32 to vector<16xi32>
      %add3A_368 = arith.addi %iota3A, %add3A_367 : vector<16xi32>
      %add3A_369 = arith.constant 0 : i32
      %add3A_370 = vector.broadcast %add3A_369 : i32 to vector<16xi32>
      %add3A_371 = arith.addi %mul3A_364, %add3A_370 : vector<16xi32>
      %gather3A_372 = tpu.vector_load_idx %arg9[%add3A_368, %add3A_371] : memref<256x128xf32, #tpu.memory_space<vmem>>[vector<16xi32>, vector<16xi32>], vector<16xf32>,
      %add3A_373 = arith.constant 0 : i32
      %add3A_374 = vector.broadcast %add3A_373 : i32 to vector<16xi32>
      %add3A_375 = arith.addi %mul3A_364, %add3A_374 : vector<16xi32>
      %gather3A_376 = tpu.vector_load_idx %arg10[%add3A_368, %add3A_375] : memref<256x128xf32, #tpu.memory_space<vmem>>[vector<16xi32>, vector<16xi32>], vector<16xf32>,
      %add3A_377 = arith.addf %gather3A_372, %gather3A_376 : vector<16xf32>
      %mul3A_378 = arith.constant 16 : i32
      %mul3A_379 = arith.muli %scan3A_352, %mul3A_378 : i32
      %add3A_380 = arith.constant 256 : i32
      %add3A_381 = arith.addi %add3A_380, %mul3A_379 : i32
      %swap3A_382 = arith.constant 0 : i32
      %swap3A_383 = arith.index_cast %swap3A_382 : i32 to index
      %swap3A_384 = arith.index_cast %add3A_381 : i32 to index
      %swap3A_385 = tpu.vector_load %arg11[%swap3A_383, %swap3A_384] {strides = array<i32>} : memref<16x512xf32, #tpu.memory_space<vmem>>, vector<16xf32>,
      tpu.vector_store %arg11[%swap3A_383, %swap3A_384], %add3A_377 {strides = array<i32>} : memref<16x512xf32, #tpu.memory_space<vmem>>, vector<16xf32>,
      %add3A_386 = arith.constant 1 : i32
      %add3A_387 = vector.broadcast %add3A_386 : i32 to vector<16xi32>
      %add3A_388 = arith.addi %mul3A_364, %add3A_387 : vector<16xi32>
      %gather3A_389 = tpu.vector_load_idx %arg9[%add3A_368, %add3A_388] : memref<256x128xf32, #tpu.memory_space<vmem>>[vector<16xi32>, vector<16xi32>], vector<16xf32>,
      %add3A_390 = arith.constant 1 : i32
      %add3A_391 = vector.broadcast %add3A_390 : i32 to vector<16xi32>
      %add3A_392 = arith.addi %mul3A_364, %add3A_391 : vector<16xi32>
      %gather3A_393 = tpu.vector_load_idx %arg10[%add3A_368, %add3A_392] : memref<256x128xf32, #tpu.memory_space<vmem>>[vector<16xi32>, vector<16xi32>], vector<16xf32>,
      %add3A_394 = arith.addf %gather3A_389, %gather3A_393 : vector<16xf32>
      %mul3A_395 = arith.constant 16 : i32
      %mul3A_396 = arith.muli %scan3A_352, %mul3A_395 : i32
      %add3A_397 = arith.constant 256 : i32
      %add3A_398 = arith.addi %add3A_397, %mul3A_396 : i32
      %swap3A_399 = arith.constant 1 : i32
      %swap3A_400 = arith.index_cast %swap3A_399 : i32 to index
      %swap3A_401 = arith.index_cast %add3A_398 : i32 to index
      %swap3A_402 = tpu.vector_load %arg11[%swap3A_400, %swap3A_401] {strides = array<i32>} : memref<16x512xf32, #tpu.memory_space<vmem>>, vector<16xf32>,
      tpu.vector_store %arg11[%swap3A_400, %swap3A_401], %add3A_394 {strides = array<i32>} : memref<16x512xf32, #tpu.memory_space<vmem>>, vector<16xf32>,
      %add3A_403 = arith.constant 2 : i32
      %add3A_404 = vector.broadcast %add3A_403 : i32 to vector<16xi32>
      %add3A_405 = arith.addi %mul3A_364, %add3A_404 : vector<16xi32>
      %gather3A_406 = tpu.vector_load_idx %arg9[%add3A_368, %add3A_405] : memref<256x128xf32, #tpu.memory_space<vmem>>[vector<16xi32>, vector<16xi32>], vector<16xf32>,
      %add3A_407 = arith.constant 2 : i32
      %add3A_408 = vector.broadcast %add3A_407 : i32 to vector<16xi32>
      %add3A_409 = arith.addi %mul3A_364, %add3A_408 : vector<16xi32>
      %gather3A_410 = tpu.vector_load_idx %arg10[%add3A_368, %add3A_409] : memref<256x128xf32, #tpu.memory_space<vmem>>[vector<16xi32>, vector<16xi32>], vector<16xf32>,
      %add3A_411 = arith.addf %gather3A_406, %gather3A_410 : vector<16xf32>
      %mul3A_412 = arith.constant 16 : i32
      %mul3A_413 = arith.muli %scan3A_352, %mul3A_412 : i32
      %add3A_414 = arith.constant 256 : i32
      %add3A_415 = arith.addi %add3A_414, %mul3A_413 : i32
      %swap3A_416 = arith.constant 2 : i32
      %swap3A_417 = arith.index_cast %swap3A_416 : i32 to index
      %swap3A_418 = arith.index_cast %add3A_415 : i32 to index
      %swap3A_419 = tpu.vector_load %arg11[%swap3A_417, %swap3A_418] {strides = array<i32>} : memref<16x512xf32, #tpu.memory_space<vmem>>, vector<16xf32>,
      tpu.vector_store %arg11[%swap3A_417, %swap3A_418], %add3A_411 {strides = array<i32>} : memref<16x512xf32, #tpu.memory_space<vmem>>, vector<16xf32>,
      %add3A_420 = arith.constant 3 : i32
      %add3A_421 = vector.broadcast %add3A_420 : i32 to vector<16xi32>
      %add3A_422 = arith.addi %mul3A_364, %add3A_421 : vector<16xi32>
      %gather3A_423 = tpu.vector_load_idx %arg9[%add3A_368, %add3A_422] : memref<256x128xf32, #tpu.memory_space<vmem>>[vector<16xi32>, vector<16xi32>], vector<16xf32>,
      %add3A_424 = arith.constant 3 : i32
      %add3A_425 = vector.broadcast %add3A_424 : i32 to vector<16xi32>
      %add3A_426 = arith.addi %mul3A_364, %add3A_425 : vector<16xi32>
      %gather3A_427 = tpu.vector_load_idx %arg10[%add3A_368, %add3A_426] : memref<256x128xf32, #tpu.memory_space<vmem>>[vector<16xi32>, vector<16xi32>], vector<16xf32>,
      %add3A_428 = arith.addf %gather3A_423, %gather3A_427 : vector<16xf32>
      %mul3A_429 = arith.constant 16 : i32
      %mul3A_430 = arith.muli %scan3A_352, %mul3A_429 : i32
      %add3A_431 = arith.constant 256 : i32
      %add3A_432 = arith.addi %add3A_431, %mul3A_430 : i32
      %swap3A_433 = arith.constant 3 : i32
      %swap3A_434 = arith.index_cast %swap3A_433 : i32 to index
      %swap3A_435 = arith.index_cast %add3A_432 : i32 to index
      %swap3A_436 = tpu.vector_load %arg11[%swap3A_434, %swap3A_435] {strides = array<i32>} : memref<16x512xf32, #tpu.memory_space<vmem>>, vector<16xf32>,
      tpu.vector_store %arg11[%swap3A_434, %swap3A_435], %add3A_428 {strides = array<i32>} : memref<16x512xf32, #tpu.memory_space<vmem>>, vector<16xf32>,
      %add3A_437 = arith.constant 4 : i32
      %add3A_438 = vector.broadcast %add3A_437 : i32 to vector<16xi32>
      %add3A_439 = arith.addi %mul3A_364, %add3A_438 : vector<16xi32>
      %gather3A_440 = tpu.vector_load_idx %arg9[%add3A_368, %add3A_439] : memref<256x128xf32, #tpu.memory_space<vmem>>[vector<16xi32>, vector<16xi32>], vector<16xf32>,
      %add3A_441 = arith.constant 4 : i32
      %add3A_442 = vector.broadcast %add3A_441 : i32 to vector<16xi32>
      %add3A_443 = arith.addi %mul3A_364, %add3A_442 : vector<16xi32>
      %gather3A_444 = tpu.vector_load_idx %arg10[%add3A_368, %add3A_443] : memref<256x128xf32, #tpu.memory_space<vmem>>[vector<16xi32>, vector<16xi32>], vector<16xf32>,
      %add3A_445 = arith.addf %gather3A_440, %gather3A_444 : vector<16xf32>
      %mul3A_446 = arith.constant 16 : i32
      %mul3A_447 = arith.muli %scan3A_352, %mul3A_446 : i32
      %add3A_448 = arith.constant 256 : i32
      %add3A_449 = arith.addi %add3A_448, %mul3A_447 : i32
      %swap3A_450 = arith.constant 4 : i32
      %swap3A_451 = arith.index_cast %swap3A_450 : i32 to index
      %swap3A_452 = arith.index_cast %add3A_449 : i32 to index
      %swap3A_453 = tpu.vector_load %arg11[%swap3A_451, %swap3A_452] {strides = array<i32>} : memref<16x512xf32, #tpu.memory_space<vmem>>, vector<16xf32>,
      tpu.vector_store %arg11[%swap3A_451, %swap3A_452], %add3A_445 {strides = array<i32>} : memref<16x512xf32, #tpu.memory_space<vmem>>, vector<16xf32>,
      %add3A_454 = arith.constant 5 : i32
      %add3A_455 = vector.broadcast %add3A_454 : i32 to vector<16xi32>
      %add3A_456 = arith.addi %mul3A_364, %add3A_455 : vector<16xi32>
      %gather3A_457 = tpu.vector_load_idx %arg9[%add3A_368, %add3A_456] : memref<256x128xf32, #tpu.memory_space<vmem>>[vector<16xi32>, vector<16xi32>], vector<16xf32>,
      %add3A_458 = arith.constant 5 : i32
      %add3A_459 = vector.broadcast %add3A_458 : i32 to vector<16xi32>
      %add3A_460 = arith.addi %mul3A_364, %add3A_459 : vector<16xi32>
      %gather3A_461 = tpu.vector_load_idx %arg10[%add3A_368, %add3A_460] : memref<256x128xf32, #tpu.memory_space<vmem>>[vector<16xi32>, vector<16xi32>], vector<16xf32>,
      %add3A_462 = arith.addf %gather3A_457, %gather3A_461 : vector<16xf32>
      %mul3A_463 = arith.constant 16 : i32
      %mul3A_464 = arith.muli %scan3A_352, %mul3A_463 : i32
      %add3A_465 = arith.constant 256 : i32
      %add3A_466 = arith.addi %add3A_465, %mul3A_464 : i32
      %swap3A_467 = arith.constant 5 : i32
      %swap3A_468 = arith.index_cast %swap3A_467 : i32 to index
      %swap3A_469 = arith.index_cast %add3A_466 : i32 to index
      %swap3A_470 = tpu.vector_load %arg11[%swap3A_468, %swap3A_469] {strides = array<i32>} : memref<16x512xf32, #tpu.memory_space<vmem>>, vector<16xf32>,
      tpu.vector_store %arg11[%swap3A_468, %swap3A_469], %add3A_462 {strides = array<i32>} : memref<16x512xf32, #tpu.memory_space<vmem>>, vector<16xf32>,
      %add3A_471 = arith.constant 6 : i32
      %add3A_472 = vector.broadcast %add3A_471 : i32 to vector<16xi32>
      %add3A_473 = arith.addi %mul3A_364, %add3A_472 : vector<16xi32>
      %gather3A_474 = tpu.vector_load_idx %arg9[%add3A_368, %add3A_473] : memref<256x128xf32, #tpu.memory_space<vmem>>[vector<16xi32>, vector<16xi32>], vector<16xf32>,
      %add3A_475 = arith.constant 6 : i32
      %add3A_476 = vector.broadcast %add3A_475 : i32 to vector<16xi32>
      %add3A_477 = arith.addi %mul3A_364, %add3A_476 : vector<16xi32>
      %gather3A_478 = tpu.vector_load_idx %arg10[%add3A_368, %add3A_477] : memref<256x128xf32, #tpu.memory_space<vmem>>[vector<16xi32>, vector<16xi32>], vector<16xf32>,
      %add3A_479 = arith.addf %gather3A_474, %gather3A_478 : vector<16xf32>
      %mul3A_480 = arith.constant 16 : i32
      %mul3A_481 = arith.muli %scan3A_352, %mul3A_480 : i32
      %add3A_482 = arith.constant 256 : i32
      %add3A_483 = arith.addi %add3A_482, %mul3A_481 : i32
      %swap3A_484 = arith.constant 6 : i32
      %swap3A_485 = arith.index_cast %swap3A_484 : i32 to index
      %swap3A_486 = arith.index_cast %add3A_483 : i32 to index
      %swap3A_487 = tpu.vector_load %arg11[%swap3A_485, %swap3A_486] {strides = array<i32>} : memref<16x512xf32, #tpu.memory_space<vmem>>, vector<16xf32>,
      tpu.vector_store %arg11[%swap3A_485, %swap3A_486], %add3A_479 {strides = array<i32>} : memref<16x512xf32, #tpu.memory_space<vmem>>, vector<16xf32>,
      %add3A_488 = arith.constant 7 : i32
      %add3A_489 = vector.broadcast %add3A_488 : i32 to vector<16xi32>
      %add3A_490 = arith.addi %mul3A_364, %add3A_489 : vector<16xi32>
      %gather3A_491 = tpu.vector_load_idx %arg9[%add3A_368, %add3A_490] : memref<256x128xf32, #tpu.memory_space<vmem>>[vector<16xi32>, vector<16xi32>], vector<16xf32>,
      %add3A_492 = arith.constant 7 : i32
      %add3A_493 = vector.broadcast %add3A_492 : i32 to vector<16xi32>
      %add3A_494 = arith.addi %mul3A_364, %add3A_493 : vector<16xi32>
      %gather3A_495 = tpu.vector_load_idx %arg10[%add3A_368, %add3A_494] : memref<256x128xf32, #tpu.memory_space<vmem>>[vector<16xi32>, vector<16xi32>], vector<16xf32>,
      %add3A_496 = arith.addf %gather3A_491, %gather3A_495 : vector<16xf32>
      %mul3A_497 = arith.constant 16 : i32
      %mul3A_498 = arith.muli %scan3A_352, %mul3A_497 : i32
      %add3A_499 = arith.constant 256 : i32
      %add3A_500 = arith.addi %add3A_499, %mul3A_498 : i32
      %swap3A_501 = arith.constant 7 : i32
      %swap3A_502 = arith.index_cast %swap3A_501 : i32 to index
      %swap3A_503 = arith.index_cast %add3A_500 : i32 to index
      %swap3A_504 = tpu.vector_load %arg11[%swap3A_502, %swap3A_503] {strides = array<i32>} : memref<16x512xf32, #tpu.memory_space<vmem>>, vector<16xf32>,
      tpu.vector_store %arg11[%swap3A_502, %swap3A_503], %add3A_496 {strides = array<i32>} : memref<16x512xf32, #tpu.memory_space<vmem>>, vector<16xf32>,
      %add3A_505 = arith.constant 8 : i32
      %add3A_506 = vector.broadcast %add3A_505 : i32 to vector<16xi32>
      %add3A_507 = arith.addi %mul3A_364, %add3A_506 : vector<16xi32>
      %gather3A_508 = tpu.vector_load_idx %arg9[%add3A_368, %add3A_507] : memref<256x128xf32, #tpu.memory_space<vmem>>[vector<16xi32>, vector<16xi32>], vector<16xf32>,
      %add3A_509 = arith.constant 8 : i32
      %add3A_510 = vector.broadcast %add3A_509 : i32 to vector<16xi32>
      %add3A_511 = arith.addi %mul3A_364, %add3A_510 : vector<16xi32>
      %gather3A_512 = tpu.vector_load_idx %arg10[%add3A_368, %add3A_511] : memref<256x128xf32, #tpu.memory_space<vmem>>[vector<16xi32>, vector<16xi32>], vector<16xf32>,
      %add3A_513 = arith.addf %gather3A_508, %gather3A_512 : vector<16xf32>
      %mul3A_514 = arith.constant 16 : i32
      %mul3A_515 = arith.muli %scan3A_352, %mul3A_514 : i32
      %add3A_516 = arith.constant 256 : i32
      %add3A_517 = arith.addi %add3A_516, %mul3A_515 : i32
      %swap3A_518 = arith.constant 8 : i32
      %swap3A_519 = arith.index_cast %swap3A_518 : i32 to index
      %swap3A_520 = arith.index_cast %add3A_517 : i32 to index
      %swap3A_521 = tpu.vector_load %arg11[%swap3A_519, %swap3A_520] {strides = array<i32>} : memref<16x512xf32, #tpu.memory_space<vmem>>, vector<16xf32>,
      tpu.vector_store %arg11[%swap3A_519, %swap3A_520], %add3A_513 {strides = array<i32>} : memref<16x512xf32, #tpu.memory_space<vmem>>, vector<16xf32>,
      %add3A_522 = arith.constant 9 : i32
      %add3A_523 = vector.broadcast %add3A_522 : i32 to vector<16xi32>
      %add3A_524 = arith.addi %mul3A_364, %add3A_523 : vector<16xi32>
      %gather3A_525 = tpu.vector_load_idx %arg9[%add3A_368, %add3A_524] : memref<256x128xf32, #tpu.memory_space<vmem>>[vector<16xi32>, vector<16xi32>], vector<16xf32>,
      %add3A_526 = arith.constant 9 : i32
      %add3A_527 = vector.broadcast %add3A_526 : i32 to vector<16xi32>
      %add3A_528 = arith.addi %mul3A_364, %add3A_527 : vector<16xi32>
      %gather3A_529 = tpu.vector_load_idx %arg10[%add3A_368, %add3A_528] : memref<256x128xf32, #tpu.memory_space<vmem>>[vector<16xi32>, vector<16xi32>], vector<16xf32>,
      %add3A_530 = arith.addf %gather3A_525, %gather3A_529 : vector<16xf32>
      %mul3A_531 = arith.constant 16 : i32
      %mul3A_532 = arith.muli %scan3A_352, %mul3A_531 : i32
      %add3A_533 = arith.constant 256 : i32
      %add3A_534 = arith.addi %add3A_533, %mul3A_532 : i32
      %swap3A_535 = arith.constant 9 : i32
      %swap3A_536 = arith.index_cast %swap3A_535 : i32 to index
      %swap3A_537 = arith.index_cast %add3A_534 : i32 to index
      %swap3A_538 = tpu.vector_load %arg11[%swap3A_536, %swap3A_537] {strides = array<i32>} : memref<16x512xf32, #tpu.memory_space<vmem>>, vector<16xf32>,
      tpu.vector_store %arg11[%swap3A_536, %swap3A_537], %add3A_530 {strides = array<i32>} : memref<16x512xf32, #tpu.memory_space<vmem>>, vector<16xf32>,
      %add3A_539 = arith.constant 10 : i32
      %add3A_540 = vector.broadcast %add3A_539 : i32 to vector<16xi32>
      %add3A_541 = arith.addi %mul3A_364, %add3A_540 : vector<16xi32>
      %gather3A_542 = tpu.vector_load_idx %arg9[%add3A_368, %add3A_541] : memref<256x128xf32, #tpu.memory_space<vmem>>[vector<16xi32>, vector<16xi32>], vector<16xf32>,
      %add3A_543 = arith.constant 10 : i32
      %add3A_544 = vector.broadcast %add3A_543 : i32 to vector<16xi32>
      %add3A_545 = arith.addi %mul3A_364, %add3A_544 : vector<16xi32>
      %gather3A_546 = tpu.vector_load_idx %arg10[%add3A_368, %add3A_545] : memref<256x128xf32, #tpu.memory_space<vmem>>[vector<16xi32>, vector<16xi32>], vector<16xf32>,
      %add3A_547 = arith.addf %gather3A_542, %gather3A_546 : vector<16xf32>
      %mul3A_548 = arith.constant 16 : i32
      %mul3A_549 = arith.muli %scan3A_352, %mul3A_548 : i32
      %add3A_550 = arith.constant 256 : i32
      %add3A_551 = arith.addi %add3A_550, %mul3A_549 : i32
      %swap3A_552 = arith.constant 10 : i32
      %swap3A_553 = arith.index_cast %swap3A_552 : i32 to index
      %swap3A_554 = arith.index_cast %add3A_551 : i32 to index
      %swap3A_555 = tpu.vector_load %arg11[%swap3A_553, %swap3A_554] {strides = array<i32>} : memref<16x512xf32, #tpu.memory_space<vmem>>, vector<16xf32>,
      tpu.vector_store %arg11[%swap3A_553, %swap3A_554], %add3A_547 {strides = array<i32>} : memref<16x512xf32, #tpu.memory_space<vmem>>, vector<16xf32>,
      %add3A_556 = arith.constant 11 : i32
      %add3A_557 = vector.broadcast %add3A_556 : i32 to vector<16xi32>
      %add3A_558 = arith.addi %mul3A_364, %add3A_557 : vector<16xi32>
      %gather3A_559 = tpu.vector_load_idx %arg9[%add3A_368, %add3A_558] : memref<256x128xf32, #tpu.memory_space<vmem>>[vector<16xi32>, vector<16xi32>], vector<16xf32>,
      %add3A_560 = arith.constant 11 : i32
      %add3A_561 = vector.broadcast %add3A_560 : i32 to vector<16xi32>
      %add3A_562 = arith.addi %mul3A_364, %add3A_561 : vector<16xi32>
      %gather3A_563 = tpu.vector_load_idx %arg10[%add3A_368, %add3A_562] : memref<256x128xf32, #tpu.memory_space<vmem>>[vector<16xi32>, vector<16xi32>], vector<16xf32>,
      %add3A_564 = arith.addf %gather3A_559, %gather3A_563 : vector<16xf32>
      %mul3A_565 = arith.constant 16 : i32
      %mul3A_566 = arith.muli %scan3A_352, %mul3A_565 : i32
      %add3A_567 = arith.constant 256 : i32
      %add3A_568 = arith.addi %add3A_567, %mul3A_566 : i32
      %swap3A_569 = arith.constant 11 : i32
      %swap3A_570 = arith.index_cast %swap3A_569 : i32 to index
      %swap3A_571 = arith.index_cast %add3A_568 : i32 to index
      %swap3A_572 = tpu.vector_load %arg11[%swap3A_570, %swap3A_571] {strides = array<i32>} : memref<16x512xf32, #tpu.memory_space<vmem>>, vector<16xf32>,
      tpu.vector_store %arg11[%swap3A_570, %swap3A_571], %add3A_564 {strides = array<i32>} : memref<16x512xf32, #tpu.memory_space<vmem>>, vector<16xf32>,
      %add3A_573 = arith.constant 12 : i32
      %add3A_574 = vector.broadcast %add3A_573 : i32 to vector<16xi32>
      %add3A_575 = arith.addi %mul3A_364, %add3A_574 : vector<16xi32>
      %gather3A_576 = tpu.vector_load_idx %arg9[%add3A_368, %add3A_575] : memref<256x128xf32, #tpu.memory_space<vmem>>[vector<16xi32>, vector<16xi32>], vector<16xf32>,
      %add3A_577 = arith.constant 12 : i32
      %add3A_578 = vector.broadcast %add3A_577 : i32 to vector<16xi32>
      %add3A_579 = arith.addi %mul3A_364, %add3A_578 : vector<16xi32>
      %gather3A_580 = tpu.vector_load_idx %arg10[%add3A_368, %add3A_579] : memref<256x128xf32, #tpu.memory_space<vmem>>[vector<16xi32>, vector<16xi32>], vector<16xf32>,
      %add3A_581 = arith.addf %gather3A_576, %gather3A_580 : vector<16xf32>
      %mul3A_582 = arith.constant 16 : i32
      %mul3A_583 = arith.muli %scan3A_352, %mul3A_582 : i32
      %add3A_584 = arith.constant 256 : i32
      %add3A_585 = arith.addi %add3A_584, %mul3A_583 : i32
      %swap3A_586 = arith.constant 12 : i32
      %swap3A_587 = arith.index_cast %swap3A_586 : i32 to index
      %swap3A_588 = arith.index_cast %add3A_585 : i32 to index
      %swap3A_589 = tpu.vector_load %arg11[%swap3A_587, %swap3A_588] {strides = array<i32>} : memref<16x512xf32, #tpu.memory_space<vmem>>, vector<16xf32>,
      tpu.vector_store %arg11[%swap3A_587, %swap3A_588], %add3A_581 {strides = array<i32>} : memref<16x512xf32, #tpu.memory_space<vmem>>, vector<16xf32>,
      %add3A_590 = arith.constant 13 : i32
      %add3A_591 = vector.broadcast %add3A_590 : i32 to vector<16xi32>
      %add3A_592 = arith.addi %mul3A_364, %add3A_591 : vector<16xi32>
      %gather3A_593 = tpu.vector_load_idx %arg9[%add3A_368, %add3A_592] : memref<256x128xf32, #tpu.memory_space<vmem>>[vector<16xi32>, vector<16xi32>], vector<16xf32>,
      %add3A_594 = arith.constant 13 : i32
      %add3A_595 = vector.broadcast %add3A_594 : i32 to vector<16xi32>
      %add3A_596 = arith.addi %mul3A_364, %add3A_595 : vector<16xi32>
      %gather3A_597 = tpu.vector_load_idx %arg10[%add3A_368, %add3A_596] : memref<256x128xf32, #tpu.memory_space<vmem>>[vector<16xi32>, vector<16xi32>], vector<16xf32>,
      %add3A_598 = arith.addf %gather3A_593, %gather3A_597 : vector<16xf32>
      %mul3A_599 = arith.constant 16 : i32
      %mul3A_600 = arith.muli %scan3A_352, %mul3A_599 : i32
      %add3A_601 = arith.constant 256 : i32
      %add3A_602 = arith.addi %add3A_601, %mul3A_600 : i32
      %swap3A_603 = arith.constant 13 : i32
      %swap3A_604 = arith.index_cast %swap3A_603 : i32 to index
      %swap3A_605 = arith.index_cast %add3A_602 : i32 to index
      %swap3A_606 = tpu.vector_load %arg11[%swap3A_604, %swap3A_605] {strides = array<i32>} : memref<16x512xf32, #tpu.memory_space<vmem>>, vector<16xf32>,
      tpu.vector_store %arg11[%swap3A_604, %swap3A_605], %add3A_598 {strides = array<i32>} : memref<16x512xf32, #tpu.memory_space<vmem>>, vector<16xf32>,
      %add3A_607 = arith.constant 14 : i32
      %add3A_608 = vector.broadcast %add3A_607 : i32 to vector<16xi32>
      %add3A_609 = arith.addi %mul3A_364, %add3A_608 : vector<16xi32>
      %gather3A_610 = tpu.vector_load_idx %arg9[%add3A_368, %add3A_609] : memref<256x128xf32, #tpu.memory_space<vmem>>[vector<16xi32>, vector<16xi32>], vector<16xf32>,
      %add3A_611 = arith.constant 14 : i32
      %add3A_612 = vector.broadcast %add3A_611 : i32 to vector<16xi32>
      %add3A_613 = arith.addi %mul3A_364, %add3A_612 : vector<16xi32>
      %gather3A_614 = tpu.vector_load_idx %arg10[%add3A_368, %add3A_613] : memref<256x128xf32, #tpu.memory_space<vmem>>[vector<16xi32>, vector<16xi32>], vector<16xf32>,
      %add3A_615 = arith.addf %gather3A_610, %gather3A_614 : vector<16xf32>
      %mul3A_616 = arith.constant 16 : i32
      %mul3A_617 = arith.muli %scan3A_352, %mul3A_616 : i32
      %add3A_618 = arith.constant 256 : i32
      %add3A_619 = arith.addi %add3A_618, %mul3A_617 : i32
      %swap3A_620 = arith.constant 14 : i32
      %swap3A_621 = arith.index_cast %swap3A_620 : i32 to index
      %swap3A_622 = arith.index_cast %add3A_619 : i32 to index
      %swap3A_623 = tpu.vector_load %arg11[%swap3A_621, %swap3A_622] {strides = array<i32>} : memref<16x512xf32, #tpu.memory_space<vmem>>, vector<16xf32>,
      tpu.vector_store %arg11[%swap3A_621, %swap3A_622], %add3A_615 {strides = array<i32>} : memref<16x512xf32, #tpu.memory_space<vmem>>, vector<16xf32>,
      %add3A_624 = arith.constant 15 : i32
      %add3A_625 = vector.broadcast %add3A_624 : i32 to vector<16xi32>
      %add3A_626 = arith.addi %mul3A_364, %add3A_625 : vector<16xi32>
      %gather3A_627 = tpu.vector_load_idx %arg9[%add3A_368, %add3A_626] : memref<256x128xf32, #tpu.memory_space<vmem>>[vector<16xi32>, vector<16xi32>], vector<16xf32>,
      %add3A_628 = arith.constant 15 : i32
      %add3A_629 = vector.broadcast %add3A_628 : i32 to vector<16xi32>
      %add3A_630 = arith.addi %mul3A_364, %add3A_629 : vector<16xi32>
      %gather3A_631 = tpu.vector_load_idx %arg10[%add3A_368, %add3A_630] : memref<256x128xf32, #tpu.memory_space<vmem>>[vector<16xi32>, vector<16xi32>], vector<16xf32>,
      %add3A_632 = arith.addf %gather3A_627, %gather3A_631 : vector<16xf32>
      %mul3A_633 = arith.constant 16 : i32
      %mul3A_634 = arith.muli %scan3A_352, %mul3A_633 : i32
      %add3A_635 = arith.constant 256 : i32
      %add3A_636 = arith.addi %add3A_635, %mul3A_634 : i32
      %swap3A_637 = arith.constant 15 : i32
      %swap3A_638 = arith.index_cast %swap3A_637 : i32 to index
      %swap3A_639 = arith.index_cast %add3A_636 : i32 to index
      %swap3A_640 = tpu.vector_load %arg11[%swap3A_638, %swap3A_639] {strides = array<i32>} : memref<16x512xf32, #tpu.memory_space<vmem>>, vector<16xf32>,
      tpu.vector_store %arg11[%swap3A_638, %swap3A_639], %add3A_632 {strides = array<i32>} : memref<16x512xf32, #tpu.memory_space<vmem>>, vector<16xf32>,
    }
    %scan3A_65 = arith.constant 16 : i32
    "tpu.region"() ({
      %run_scoped3A = tpu.sem_alloc : memref<!tpu.dma_semaphore, #tpu.memory_space<semaphore_mem>>
      %dma_start3A_66 = arith.constant 0 : i32
      %dma_start3A_67 = tpu.memref_slice %arg5[%dma_start3A_66, %mul3A_2] : memref<16x16384xf32, #tpu.memory_space<hbm>> -> memref<16x512xf32, #tpu.memory_space<hbm>>
      %dma_start3A_68 = arith.constant 0 : i32
      %dma_start3A_69 = tpu.memref_slice %arg5[%dma_start3A_68, %mul3A_2] : memref<16x16384xf32, #tpu.memory_space<hbm>> -> memref<16x512xf32, #tpu.memory_space<hbm>>
      tpu.enqueue_dma source(%arg11 : memref<16x512xf32, #tpu.memory_space<vmem>>) target(%dma_start3A_69 : memref<16x512xf32, #tpu.memory_space<hbm>>) target_semaphore(%run_scoped3A : memref<!tpu.dma_semaphore, #tpu.memory_space<semaphore_mem>>)
      %dma_wait3A_70 = arith.constant 0 : i32
      %dma_wait3A_71 = tpu.memref_slice %arg5[%dma_wait3A_70, %mul3A_2] : memref<16x16384xf32, #tpu.memory_space<hbm>> -> memref<16x512xf32, #tpu.memory_space<hbm>>
      %dma_wait3A_72 = arith.constant 0 : i32
      %dma_wait3A_73 = tpu.memref_slice %arg5[%dma_wait3A_72, %mul3A_2] : memref<16x16384xf32, #tpu.memory_space<hbm>> -> memref<16x512xf32, #tpu.memory_space<hbm>>
      tpu.wait_dma2 semaphore(%run_scoped3A : memref<!tpu.dma_semaphore, #tpu.memory_space<semaphore_mem>>) src(%arg11 : memref<16x512xf32, #tpu.memory_space<vmem>>) dst(%dma_wait3A_73 : memref<16x512xf32, #tpu.memory_space<hbm>>)
      tpu.yield
    }) : () -> ()
    return
  }
}

</mosaic_0001>

<sc_bundles>
// kernel: _lookup.3.cloned.1.call-start
scs
__scs_entry_jumppad:
0x0: {  	(pc) =	sbr.rel $0x88, $3  }
0x1: {  	(tag) =	ssettag $0x0;
	lr =	simm.s32 $0x1  }
0x2: {  	[smem:$0x3F9E] =	sst lr;
	_ =	strace $0xD0000000  }
0x3: {  	_ = 	snop  }
0x4: {  	_ = 	snop  }
0x5: {  	_ = 	snop  }
0x6: {  	_ = 	snop  }
0x7: {  	_ = 	snop  }
__scs_overlays_trampoline_lowered:
0x8: {  	[smem:$0x3FAD] =	sst s0  }
0x9: {  	[smem:$0x3FAE] =	sst s1  }
0xa: {  	[smem:$0x3FAF] =	sst s2  }
0xb: {  	[smem:$0x3FB0] =	sst s3  }
0xc: {  	[smem:$0x3FB1] =	sst s4  }
0xd: {  	[smem:$0x3FB2] =	sst s5  }
0xe: {  	[smem:$0x3FB3] =	sst s6  }
0xf: {  	[smem:$0x3FB4] =	sst s7  }
0x10: {  	[smem:$0x3FB5] =	sst s8  }
0x11: {  	[smem:$0x3FB6] =	sst s9;
	s0 =	simm.s32 @!p0 $0x0  }
0x12: {  	s1 =	sld [smem:$0x3F9C];
	s0 =	simm.s32 @p0 $0x1  }
0x13: {  	[smem:$0x3FB7] =	sst s0;
	s0 =	simm.s32 @!p1 $0x0  }
0x14: {  	s2 =	sld [smem:$0x3F9B];
	s0 =	simm.s32 @p1 $0x1  }
0x15: {  	[smem:$0x3FB8] =	sst s0;
	s0 =	simm.s32 @!p2 $0x0  }
0x16: {  	s3 =	sld [smem:$0x3FDB];
	s0 =	simm.s32 @p2 $0x1  }
0x17: {  	s4 =	simm.s32 $0x1BF5;
	[smem:$0x3FBA] =	sst s0  }
0x18: {  	s0 =	sld [smem:$0x3F9D];
	_ =	swait.ge [sflag:s4], $0x0  }
0x19: {  	s7 =	sld [smem:$0x3F9E]  }
0x1a: {  	s8 =	sadd.s32 $0xFFFFE003, lr  }
0x1b: {  	s9 =	sadd.s32 $0xFFFFFEF7, lr;
	s5 =	simm.s32 $0xFFFFFFFF;
	p2 =	slt.u32 s8, $0xFFFFF086  }
0x1c: {  	p1 =	slt.u32 s9, $0xF7A;
	s5 =	simm.s32 @!p2 $0x0  }
0x1d: {  	s5 =	simm.s32 @p1 $0x1;
	p0 =	seq.s32 s7, s2  }
0x1e: {  	s7 =	smul.u32 @!p0 $0xF7A, s2;
	p2 =	seq.s32 @!p0 s5, $0x0  }
0x1f: {  	s9 =	smul.u32 $0xF7A, s1;
	s8 =	simm.s32 @!p0 $0x1BF5;
	p2 =	por !p2, p0  }
0x20: {  	[sflag:s8] =	ssyncset.s32 @!p0 $0xFFFFF086;
	s6 =	sadd.s32 @!p0 s3, s7;
	s7 =	simm.s32 @!p0 $0x108  }
0x21: {  	s3 =	sadd.s32 s3, s9;
	s6 =	sadd.s32 @!p0 $0x88, s6;
	s7 =	simm.s32 @p2 $0x1082  }
0x22: {  	[simem:s7], [sflag:s8] =	dma.local @!p0 [hbm:s6], $0xF7A  }
0x23: {  	s9 =	sor.u32 $0xD0000000, s2;
	s6 =	simm.s32 $0x108;
	_ =	swait.ge @!p0 [sflag:s8], $0x0  }
0x24: {  	s3 =	sadd.s32 $0x88, s3;
	s6 =	simm.s32 @!p1 $0x1082;
	[sflag:s4] =	ssyncset.s32 $0xFFFFF086  }
0x25: {  	[simem:s6], [sflag:s4] =	dma.local [hbm:s3], $0xF7A  }
0x26: {  	[smem:$0x3F9E] =	sst s1;
	(tag) =	ssettag s2;
	_ =	strace s9  }
0x27: {  	s1 =	sld [smem:$0x3FAE]  }
0x28: {  	s2 =	sld [smem:$0x3FAF]  }
0x29: {  	s4 =	sld [smem:$0x3FB1]  }
0x2a: {  	p0 =	seq.s32 s5, $0x0;
	s5 =	sld [smem:$0x3FB2]  }
0x2b: {  	s6 =	sld [smem:$0x3FB3]  }
0x2c: {  	s7 =	sld [smem:$0x3FB4]  }
0x2d: {  	s3 =	simm.s32 $0x108;
	s8 =	sld [smem:$0x3FB5]  }
0x2e: {  	s3 =	simm.s32 @!p0 $0x1082;
	s9 =	sld [smem:$0x3FB6]  }
0x2f: {  	lr =	sadd.s32 s0, s3;
	s0 =	sld [smem:$0x3FAD]  }
0x30: {  	s3 =	sld [smem:$0x3FB0]  }
0x31: {  	[smem:$0x3FB9] =	sst s10  }
0x32: {  	s10 =	sld [smem:$0x3FB7];
	_ =	sdelay $0x3  }
0x33: {  	p0 =	seq.s32 s10, $0x1;
	s10 =	sld [smem:$0x3FB9];
	_ =	sdelay $0x3  }
0x34: {  	[smem:$0x3FB9] =	sst s10  }
0x35: {  	s10 =	sld [smem:$0x3FB8];
	_ =	sdelay $0x3  }
0x36: {  	p1 =	seq.s32 s10, $0x1;
	s10 =	sld [smem:$0x3FB9];
	_ =	sdelay $0x3  }
0x37: {  	[smem:$0x3FB9] =	sst s10  }
0x38: {  	s10 =	sld [smem:$0x3FBA]  }
0x39: {  	_ = 	snop;
	(pc) =	sbr.ind lr, $3  }
0x3a: {  	_ = 	snop  }
0x3b: {  	_ = 	snop  }
0x3c: {  	p2 =	seq.s32 s10, $0x1;
	s10 =	sld [smem:$0x3FB9]  }
0x3d: {  	_ =	shalt  }
0x3e: {  	_ =	shalt  }
0x3f: {  	_ =	shalt  }
0x40: {  	_ =	shalt  }
0x41: {  	_ =	shalt  }
0x42: {  	_ =	shalt  }
0x43: {  	_ =	shalt  }
0x44: {  	_ =	shalt  }
0x45: {  	_ =	shalt  }
0x46: {  	_ =	shalt  }
0x47: {  	_ =	shalt  }
0x48: {  	_ =	shalt  }
0x49: {  	_ =	shalt  }
0x4a: {  	_ =	shalt  }
0x4b: {  	_ =	shalt  }
0x4c: {  	_ =	shalt  }
0x4d: {  	_ =	shalt  }
0x4e: {  	_ =	shalt  }
0x4f: {  	_ =	shalt  }
0x50: {  	_ =	shalt  }
0x51: {  	_ =	shalt  }
0x52: {  	_ =	shalt  }
0x53: {  	_ =	shalt  }
0x54: {  	_ =	shalt  }
0x55: {  	_ =	shalt  }
0x56: {  	_ =	shalt  }
0x57: {  	_ =	shalt  }
0x58: {  	_ =	shalt  }
0x59: {  	_ =	shalt  }
0x5a: {  	_ =	shalt  }
0x5b: {  	_ =	shalt  }
0x5c: {  	_ =	shalt  }
0x5d: {  	_ =	shalt  }
0x5e: {  	_ =	shalt  }
0x5f: {  	_ =	shalt  }
0x60: {  	_ =	shalt  }
0x61: {  	_ =	shalt  }
0x62: {  	_ =	shalt  }
0x63: {  	_ =	shalt  }
0x64: {  	_ =	shalt  }
0x65: {  	_ =	shalt  }
0x66: {  	_ =	shalt  }
0x67: {  	_ =	shalt  }
0x68: {  	_ =	shalt  }
0x69: {  	_ =	shalt  }
0x6a: {  	_ =	shalt  }
0x6b: {  	_ =	shalt  }
0x6c: {  	_ =	shalt  }
0x6d: {  	_ =	shalt  }
0x6e: {  	_ =	shalt  }
0x6f: {  	_ =	shalt  }
0x70: {  	_ =	shalt  }
0x71: {  	_ =	shalt  }
0x72: {  	_ =	shalt  }
0x73: {  	_ =	shalt  }
0x74: {  	_ =	shalt  }
0x75: {  	_ =	shalt  }
0x76: {  	_ =	shalt  }
0x77: {  	_ =	shalt  }
0x78: {  	_ =	shalt  }
0x79: {  	_ =	shalt  }
0x7a: {  	_ =	shalt  }
0x7b: {  	_ =	shalt  }
0x7c: {  	_ =	shalt  }
0x7d: {  	_ =	shalt  }
0x7e: {  	_ =	shalt  }
0x7f: {  	_ =	shalt  }
0x80: {  	_ =	shalt  }
0x81: {  	_ =	shalt  }
0x82: {  	_ =	shalt  }
0x83: {  	_ =	shalt  }
0x84: {  	_ =	shalt  }
0x85: {  	_ =	shalt  }
0x86: {  	_ =	shalt  }
0x87: {  	_ =	shalt  }
.Lfunc_end0:
.L_simem_size_0:
called_computation_lowered:
.L_overlay_start_0:
0x88: {  	s2 =	sld [smem:$0x3FD9]  }
0x89: {  	s3 =	sld [smem:$0x3FFE];
	_ =	sdelay $0x1  }
0x8a: {  	s1 =	srdreg.scid  }
0x8b: {  	s0 =	sand.u32 $0x1, s1  }
0x8c: {  	s18 =	sshll.u32 s0, $0xA;
	s2 =	sadd.s32 s3, s2  }
0x8d: {  	s2 =	sadd.s32 s2, s18  }
0x8e: {  	[smem:$0x3FC5] =	sst s2  }
0x8f: {  	_ = 	snop  }
0x90: {  	s2 =	sld [smem:$0x3FC9]  }
0x91: {  	s19 =	sld [smem:$0x3FC8]  }
0x92: {  	s4 =	sld [smem:$0x3FC7]  }
0x93: {  	s5 =	sld [smem:$0x3FD0];
	(tm) =	ssettm $0x1  }
0x94: {  	s6 =	sld [smem:$0x3FFB];
	_ =	sdelay $0x3  }
0x95: {  	_ =	strace s6  }
0x96: {  	s6 =	sld [smem:$0x3FFC];
	_ =	sdelay $0x3  }
0x97: {  	_ =	strace s6  }
0x98: {  	s6 =	sld [smem:$0x3FFD];
	_ =	sdelay $0x3  }
0x99: {  	_ =	strace s6  }
0x9a: {  	_ =	strace $0x8FFFFFFF  }
0x9b: {  	s20 =	sld [smem:$0x3FDB];
	_ =	sdelay $0x1  }
0x9c: {  	s7 =	simm.s32 $_scs_section_size  }
0x9d: {  	s8 =	simm.s32 $_size__tile_overlayer_lowered;
	s9 =	simm.s32 $_tile_overlayer_lowered  }
0x9e: {  	s23 =	simm.s32 $0x1BFF;
	s22 =	sshll.u32 s9, $0x1;
	s6 =	sadd.s32 s7, s20  }
0x9f: {  	s10 =	simm.s32 $0x0;
	s21 =	sshll.u32 s8, $0x1;
	s8 =	sadd.s32 s22, s6  }
0xa0: {  	[timem:s10], [sflag:s23] =	dma.local [hbm:s8], s21  }
0xa1: {  	_ =	swait.ge [sflag:s23], s21  }
0xa2: {  	s7 =	ssub.s32 $0x0, s21;
	[sflag:s23] =	ssyncset.done $0x0  }
0xa3: {  	[sflag:s23] =	ssyncadd.s32 s7;
	_ =	sdelay $0x1  }
0xa4: {  	s24 =	simm.s32 $0x1B8B  }
0xa5: {  	_ =	swait.ge [sflag:s24], $0x1  }
0xa6: {  	[sflag:s24] =	ssyncset.done $0x0  }
0xa7: {  	s25 =	simm.s32 $0x1B8E;
	[sflag:s24] =	ssyncadd.s32 $0xFFFFFFFF  }
0xa8: {  	s26 =	simm.s32 $execute0_lowered;
	[smem:$0x3FD2] =	sst s25  }
0xa9: {  	s7 =	sshll.u32 s26, $0x1;
	_ =	strace $0x80000046;
	[dreg:$0x1] =	wrdreg $0xFFFFFFFF  }
0xaa: {  	s28 =	simm.s32 $_size_execute0_lowered;
	s6 =	sadd.s32 s6, s7;
	[dreg:$0x0] =	wrdreg $0x0  }
0xab: {  	s7 =	sshll.u32 s28, $0x1;
	[dreg:$0x2] =	wrdreg s6  }
0xac: {  	[dreg:$0x3] =	wrdreg s7  }
0xad: {  	[dreg:$0x4] =	wrdreg $0xC0  }
0xae: {  	_ =	task [dreg:s10], $0x5FFFF  }
0xaf: {  	[dreg:$0x1] =	wrdreg $0xFFFFFFFF  }
0xb0: {  	[dreg:$0x0] =	wrdreg $0x60  }
0xb1: {  	[dreg:$0x2] =	wrdreg s2  }
0xb2: {  	[dreg:$0x3] =	wrdreg s19  }
0xb3: {  	[dreg:$0x4] =	wrdreg s4  }
0xb4: {  	[dreg:$0x5] =	wrdreg s5  }
0xb5: {  	[dreg:$0x6] =	wrdreg $0x9  }
0xb6: {  	_ =	task.clear_ibuf [dreg:s10], $0x7FFFF;
	_ =	strace $0x90000046  }
0xb7: {  	s29 =	simm.s32 $0x9;
	_ =	strace $0x80000048  }
0xb8: {  	_ =	swait.ge [sflag:s29], $0x1  }
0xb9: {  	[sflag:s29] =	ssyncadd.s32 $0xFFFFFFFF  }
0xba: {  	_ =	strace $0x90000048  }
0xbb: {  	_ =	sfence  }
0xbc: {  	s30 =	sld [smem:$0x0];
	_ =	sdelay $0x2  }
0xbd: {  	s31 =	sshll.u32 s1, $0xD;
	s1 =	sshrl.u32 s1, $0x2  }
0xbe: {  	s3 =	sand.u32 $0x4000, s31;
	s1 =	sadd.s32 s1, s30  }
0xbf: {  	s0 =	sor.u32 s3, s0;
	s1 =	sshll.u32 s1, $0x11  }
0xc0: {  	s0 =	sor.u32 s1, s0  }
0xc1: {  	s0 =	sadd.s32 $0x8F2B, s0  }
0xc2: {  	[sflag:s0] =	ssyncadd.remote.s32 $0x1  }
0xc3: {  	_ =	sfence.sel $0xFFFF  }
0xc4: {  	[dreg:$0x0] =	wrdreg $0xFFFFFFFF;
	(pc) =	sbr.abs _section_cstart, $3  }
0xc5: {  	[dreg:$0x1] =	wrdreg $0xFFFFFFFF  }
0xc6: {  	_ =	task.clear_ibuf [dreg:s10], $0x2FFFF;
	_ =	strace $0x9FFFFFFF  }
0xc7: {  	(tm) =	ssettm $0x7FFFFFFF  }
tec
execute0_lowered:
.L_overlay_start_1:
0x0: {  	(tag) =	ssettag $0x1  }
0x1: {  	s0 =	rddreg [dreg:$0x0]  }
0x2: {  	s1 =	rddreg [dreg:$0x1]  }
0x3: {  	s2 =	rddreg [dreg:$0x2]  }
0x4: {  	s3 =	rddreg [dreg:$0x3];
	s4 =	srdreg.scid  }
0x5: {  	s7 =	simm.s32 $0x0;
	s6 =	stileid.u32;
	s8 =	simm.s32 $0x3  }
0x6: {  	s9 =	simm.s32 $0x100;
	s10 =	simm.s32 $0x200;
	s11 =	simm.s32 $0x400  }
0x7: {  	s12 =	simm.s32 $0x8400;
	s13 =	simm.s32 $0x1;
	s14 =	simm.s32 $0x2  }
0x8: {  	s15 =	simm.s32 $0x300;
	s19 =	simm.s32 $0x0;
	s4 =	sand.u32 $0x1, s4  }
0x9: {  	s6 =	sshll.u32 s6, $0xA;
	s5 =	ssub.s32 $0x2, s4;
	s4 =	sshll.u32 s4, $0x9  }
0xa: {  	[smem:$0x7FF] =	sst s7;
	s30 =	sshrl.u32 s5, $0x1;
	s4 =	sor.u32 s4, s6  }
0xb: {  	v0 =	vlaneseq.u32;
	_ =	strace $0x80000047;
	s7 =	ssub.s32 s5, s30;
	s31 =	sshrl.u32 s4, $0x3  }
0xc: {  	v0 =	vmul.u32 $0x80, v0;
	s6 =	sadd.s32 s3, s4;
	s5 =	sadd.s32 s0, s31;
	s7 =	smax.u32 s7, $0x1  }
.LBB2_1:
0xd: {  	s0 =	simm.s32 $0x0  }
0xe: {  	[tilespmem:s0], [sflag:$0x3] =	stream.linear.gather [hbm4b:s5+s0], $0x200, $0x38;
	[tilespmem:$0x12400] =	vst v63  }
0xf: {  	_ =	swait.ge [sflag:s8], $0x200  }
0x10: {  	[sflag:s8] =	ssyncset.done $0x0  }
0x11: {  	[sflag:s8] =	ssyncadd.s32 $0xFFFFFE00  }
0x12: {  	v1 =	vld [tilespmem:$0x0]  }
0x13: {  	v2 =	vld [tilespmem:$0x100]  }
0x14: {  	v3 =	vld [tilespmem:$0x10]  }
0x15: {  	v4 =	vld [tilespmem:$0x110]  }
0x16: {  	v5 =	vld [tilespmem:$0x20]  }
0x17: {  	v6 =	vld [tilespmem:$0x120];
	v1 =	vshra.s32 v1, $0x3  }
0x18: {  	[tilespmem:$0x200] =	vst v1;
	v1 =	vshra.s32 v2, $0x3;
	v2 =	vld [tilespmem:$0x30]  }
0x19: {  	[tilespmem:$0x300] =	vst v1;
	v1 =	vshra.s32 v3, $0x3;
	v3 =	vld [tilespmem:$0x130]  }
0x1a: {  	v49 =	vld [tilespmem:$0x40];
	[tilespmem:$0x210] =	vst v1;
	v1 =	vshra.s32 v4, $0x3  }
0x1b: {  	v50 =	vld [tilespmem:$0x140];
	[tilespmem:$0x310] =	vst v1;
	v1 =	vshra.s32 v5, $0x3  }
0x1c: {  	v51 =	vld [tilespmem:$0x50];
	[tilespmem:$0x220] =	vst v1;
	v1 =	vshra.s32 v6, $0x3  }
0x1d: {  	[tilespmem:$0x320] =	vst v1;
	v1 =	vshra.s32 v2, $0x3;
	v2 =	vld [tilespmem:$0x150]  }
0x1e: {  	[tilespmem:$0x230] =	vst v1;
	v1 =	vshra.s32 v3, $0x3;
	v3 =	vld [tilespmem:$0x60]  }
0x1f: {  	v52 =	vld [tilespmem:$0x160];
	[tilespmem:$0x330] =	vst v1;
	v1 =	vshra.s32 v49, $0x3  }
0x20: {  	v53 =	vld [tilespmem:$0x70];
	[tilespmem:$0x240] =	vst v1;
	v1 =	vshra.s32 v50, $0x3  }
0x21: {  	v54 =	vld [tilespmem:$0x170];
	[tilespmem:$0x340] =	vst v1;
	v1 =	vshra.s32 v51, $0x3  }
0x22: {  	[tilespmem:$0x250] =	vst v1;
	v1 =	vshra.s32 v2, $0x3;
	v2 =	vld [tilespmem:$0x80]  }
0x23: {  	[tilespmem:$0x350] =	vst v1;
	v1 =	vshra.s32 v3, $0x3;
	v3 =	vld [tilespmem:$0x180]  }
0x24: {  	v55 =	vld [tilespmem:$0x90];
	[tilespmem:$0x260] =	vst v1;
	v1 =	vshra.s32 v52, $0x3  }
0x25: {  	v56 =	vld [tilespmem:$0x190];
	[tilespmem:$0x360] =	vst v1;
	v1 =	vshra.s32 v53, $0x3  }
0x26: {  	v57 =	vld [tilespmem:$0xA0];
	[tilespmem:$0x270] =	vst v1;
	v1 =	vshra.s32 v54, $0x3  }
0x27: {  	[tilespmem:$0x370] =	vst v1;
	v1 =	vshra.s32 v2, $0x3;
	v2 =	vld [tilespmem:$0x1A0]  }
0x28: {  	[tilespmem:$0x280] =	vst v1;
	v1 =	vshra.s32 v3, $0x3;
	v3 =	vld [tilespmem:$0xB0]  }
0x29: {  	v58 =	vld [tilespmem:$0x1B0];
	[tilespmem:$0x380] =	vst v1;
	v1 =	vshra.s32 v55, $0x3  }
0x2a: {  	v59 =	vld [tilespmem:$0xC0];
	[tilespmem:$0x290] =	vst v1;
	v1 =	vshra.s32 v56, $0x3  }
0x2b: {  	v60 =	vld [tilespmem:$0x1C0];
	[tilespmem:$0x390] =	vst v1;
	v1 =	vshra.s32 v57, $0x3  }
0x2c: {  	[tilespmem:$0x2A0] =	vst v1;
	v1 =	vshra.s32 v2, $0x3;
	v2 =	vld [tilespmem:$0xD0]  }
0x2d: {  	[tilespmem:$0x3A0] =	vst v1;
	v1 =	vshra.s32 v3, $0x3;
	v3 =	vld [tilespmem:$0x1D0]  }
0x2e: {  	v61 =	vld [tilespmem:$0xE0];
	[tilespmem:$0x2B0] =	vst v1;
	v1 =	vshra.s32 v58, $0x3  }
0x2f: {  	v62 =	vld [tilespmem:$0x1E0];
	[tilespmem:$0x3B0] =	vst v1;
	v1 =	vshra.s32 v59, $0x3  }
0x30: {  	v63 =	vld [tilespmem:$0xF0];
	[tilespmem:$0x2C0] =	vst v1;
	v1 =	vshra.s32 v60, $0x3  }
0x31: {  	[tilespmem:$0x3C0] =	vst v1;
	v1 =	vshra.s32 v2, $0x3;
	v2 =	vld [tilespmem:$0x1F0]  }
0x32: {  	[tilespmem:$0x2D0] =	vst v1;
	v1 =	vshra.s32 v3, $0x3  }
0x33: {  	[tilespmem:$0x3D0] =	vst v1;
	v1 =	vshra.s32 v61, $0x3  }
0x34: {  	[tilespmem:$0x2E0] =	vst v1;
	v1 =	vshra.s32 v62, $0x3  }
0x35: {  	[tilespmem:$0x3E0] =	vst v1;
	v1 =	vshra.s32 v63, $0x3  }
0x36: {  	[tilespmem:$0x2F0] =	vst v1;
	v1 =	vshra.s32 v2, $0x3  }
0x37: {  	[tilespmem:$0x3F0] =	vst v1  }
0x38: {  	[tilespmem:s11], [sflag:$0x1] =	stream.indirect.gather [hbm4b:s1+s9], $0x80, s10, s9, $0xb8;
	[tilespmem:$0x12400] =	vst v63  }
0x39: {  	_ = 	snop  }
0x3a: {  	[tilespmem:s12], [sflag:$0x2] =	stream.indirect.gather [hbm4b:s2+s9], $0x80, s10, s9, $0xb8;
	[tilespmem:$0x12400] =	vst v63  }
0x3b: {  	_ =	swait.ge [sflag:s13], $0x8000  }
0x3c: {  	[sflag:s13] =	ssyncset.done $0x0  }
0x3d: {  	[sflag:s13] =	ssyncadd.s32 $0xFFFF8000  }
0x3e: {  	s20 =	simm.s32 $0xFFFFFFFE;
	s21 =	simm.s32 $0x10;
	_ =	swait.ge [sflag:s14], $0x8000  }
0x3f: {  	s22 =	simm.s32 $0x0;
	s23 =	simm.s32 $0x0;
	[sflag:s14] =	ssyncset.done $0x0  }
0x40: {  	s24 =	simm.s32 $0x0;
	s25 =	simm.s32 $0x0;
	[sflag:s14] =	ssyncadd.s32 $0xFFFF8000  }
.LBB2_2:
0x41: {  	v1 =	vld [tilespmem:s21+$0xFFFFFFF0];
	_ =	sdelay $0x3  }
0x42: {  	v2 =	vmov s22  }
0x43: {  	v2 =	vshll.u32 v2, $0x7;
	v1 =	vshll.u32 v1, $0x4  }
0x44: {  	v2 =	vor.u32 v0, v2;
	v1 =	vand.u32 $0x70, v1  }
0x45: {  	v1 =	vor.u32 v2, v1;
	_ =	sdelay $0x4  }
0x46: {  	v2 =	vld.idx.msk [tilespmem:v1+s11+$0x0], $0xffff  }
0x47: {  	v3 =	vld.idx.msk [tilespmem:v1+s12+$0x0], $0xffff;
	_ =	sdelay $0x2  }
0x48: {  	v4 =	vor.u32 $0x1, v1  }
0x49: {  	s16 =	sand.u32 $0x400, s25  }
0x4a: {  	s17 =	sand.u32 $0x60, s22;
	s26 =	sadd.s32 $0x10400, s16;
	v2 =	vadd.f32 v3, v2  }
0x4b: {  	s0 =	sor.u32 s17, s26  }
0x4c: {  	[tilespmem:s0+$0x0] =	vst v2  }
0x4d: {  	v2 =	vld.idx.msk [tilespmem:v4+s11+$0x0], $0xffff  }
0x4e: {  	v3 =	vld.idx.msk [tilespmem:v4+s12+$0x0], $0xffff;
	_ =	sdelay $0x2  }
0x4f: {  	v37 =	vor.u32 $0x2, v1;
	_ =	sdelay $0x1  }
0x50: {  	v2 =	vadd.f32 v3, v2;
	_ =	sdelay $0x1  }
0x51: {  	[tilespmem:s0+$0x80] =	vst v2  }
0x52: {  	v2 =	vld.idx.msk [tilespmem:v37+s11+$0x0], $0xffff  }
0x53: {  	v3 =	vld.idx.msk [tilespmem:v37+s12+$0x0], $0xffff;
	_ =	sdelay $0x2  }
0x54: {  	v38 =	vor.u32 $0x3, v1;
	_ =	sdelay $0x1  }
0x55: {  	v2 =	vadd.f32 v3, v2;
	_ =	sdelay $0x1  }
0x56: {  	[tilespmem:s0+$0x100] =	vst v2  }
0x57: {  	v2 =	vld.idx.msk [tilespmem:v38+s11+$0x0], $0xffff  }
0x58: {  	v3 =	vld.idx.msk [tilespmem:v38+s12+$0x0], $0xffff;
	_ =	sdelay $0x2  }
0x59: {  	v39 =	vor.u32 $0x4, v1;
	_ =	sdelay $0x1  }
0x5a: {  	v2 =	vadd.f32 v3, v2;
	_ =	sdelay $0x1  }
0x5b: {  	[tilespmem:s0+$0x180] =	vst v2  }
0x5c: {  	v2 =	vld.idx.msk [tilespmem:v39+s11+$0x0], $0xffff  }
0x5d: {  	v3 =	vld.idx.msk [tilespmem:v39+s12+$0x0], $0xffff;
	_ =	sdelay $0x2  }
0x5e: {  	v40 =	vor.u32 $0x5, v1;
	_ =	sdelay $0x1  }
0x5f: {  	v2 =	vadd.f32 v3, v2;
	_ =	sdelay $0x1  }
0x60: {  	[tilespmem:s0+$0x200] =	vst v2  }
0x61: {  	v2 =	vld.idx.msk [tilespmem:v40+s11+$0x0], $0xffff  }
0x62: {  	v3 =	vld.idx.msk [tilespmem:v40+s12+$0x0], $0xffff;
	_ =	sdelay $0x2  }
0x63: {  	v41 =	vor.u32 $0x6, v1;
	_ =	sdelay $0x1  }
0x64: {  	v2 =	vadd.f32 v3, v2;
	_ =	sdelay $0x1  }
0x65: {  	[tilespmem:s0+$0x280] =	vst v2  }
0x66: {  	v2 =	vld.idx.msk [tilespmem:v41+s11+$0x0], $0xffff  }
0x67: {  	v3 =	vld.idx.msk [tilespmem:v41+s12+$0x0], $0xffff;
	_ =	sdelay $0x2  }
0x68: {  	s29 =	sand.u32 $0x3, s23;
	v42 =	vor.u32 $0x7, v1  }
0x69: {  	s0 =	sshll.u32 s29, $0x5  }
0x6a: {  	s0 =	sadd.s32 s0, s25;
	v2 =	vadd.f32 v3, v2  }
0x6b: {  	s0 =	sor.u32 $0x300, s0  }
0x6c: {  	[tilespmem:s0+$0x10400] =	vst v2  }
0x6d: {  	v2 =	vld.idx.msk [tilespmem:v42+s11+$0x0], $0xffff  }
0x6e: {  	v3 =	vld.idx.msk [tilespmem:v42+s12+$0x0], $0xffff;
	_ =	sdelay $0x2  }
0x6f: {  	v43 =	vor.u32 $0x8, v1;
	_ =	sdelay $0x1  }
0x70: {  	s30 =	sor.u32 s22, s25;
	v2 =	vadd.f32 v3, v2  }
0x71: {  	s0 =	sor.u32 $0x380, s30  }
0x72: {  	[tilespmem:s0+$0x10400] =	vst v2  }
0x73: {  	v2 =	vld.idx.msk [tilespmem:v43+s11+$0x0], $0xffff  }
0x74: {  	v3 =	vld.idx.msk [tilespmem:v43+s12+$0x0], $0xffff;
	_ =	sdelay $0x2  }
0x75: {  	v44 =	vor.u32 $0x9, v1;
	_ =	sdelay $0x1  }
0x76: {  	s28 =	sadd.s32 $0x11400, s16;
	v2 =	vadd.f32 v3, v2  }
0x77: {  	s31 =	sor.u32 s17, s28  }
0x78: {  	[tilespmem:s31+$0x0] =	vst v2  }
0x79: {  	v2 =	vld.idx.msk [tilespmem:v44+s11+$0x0], $0xffff  }
0x7a: {  	v3 =	vld.idx.msk [tilespmem:v44+s12+$0x0], $0xffff;
	_ =	sdelay $0x2  }
0x7b: {  	v45 =	vor.u32 $0xA, v1;
	_ =	sdelay $0x1  }
0x7c: {  	s29 =	sadd.s32 $0x11480, s16;
	v2 =	vadd.f32 v3, v2  }
0x7d: {  	s3 =	sor.u32 s17, s29  }
0x7e: {  	[tilespmem:s3+$0x0] =	vst v2  }
0x7f: {  	v2 =	vld.idx.msk [tilespmem:v45+s11+$0x0], $0xffff  }
0x80: {  	v3 =	vld.idx.msk [tilespmem:v45+s12+$0x0], $0xffff;
	_ =	sdelay $0x2  }
0x81: {  	v46 =	vor.u32 $0xB, v1;
	_ =	sdelay $0x1  }
0x82: {  	s30 =	sadd.s32 $0x11500, s16;
	v2 =	vadd.f32 v3, v2  }
0x83: {  	s4 =	sor.u32 s17, s30  }
0x84: {  	[tilespmem:s4+$0x0] =	vst v2  }
0x85: {  	v2 =	vld.idx.msk [tilespmem:v46+s11+$0x0], $0xffff  }
0x86: {  	v3 =	vld.idx.msk [tilespmem:v46+s12+$0x0], $0xffff;
	_ =	sdelay $0x2  }
0x87: {  	v47 =	vor.u32 $0xC, v1;
	_ =	sdelay $0x1  }
0x88: {  	s31 =	sadd.s32 $0x11580, s16;
	v2 =	vadd.f32 v3, v2  }
0x89: {  	s18 =	sor.u32 s17, s31  }
0x8a: {  	[tilespmem:s18+$0x0] =	vst v2  }
0x8b: {  	v2 =	vld.idx.msk [tilespmem:v47+s11+$0x0], $0xffff  }
0x8c: {  	v3 =	vld.idx.msk [tilespmem:v47+s12+$0x0], $0xffff;
	_ =	sdelay $0x2  }
0x8d: {  	v48 =	vor.u32 $0xD, v1;
	_ =	sdelay $0x1  }
0x8e: {  	s0 =	sadd.s32 $0x11600, s16;
	v2 =	vadd.f32 v3, v2  }
0x8f: {  	s3 =	sor.u32 s17, s0  }
0x90: {  	[tilespmem:s3+$0x0] =	vst v2  }
0x91: {  	v2 =	vld.idx.msk [tilespmem:v48+s11+$0x0], $0xffff  }
0x92: {  	v3 =	vld.idx.msk [tilespmem:v48+s12+$0x0], $0xffff;
	_ =	sdelay $0x2  }
0x93: {  	v49 =	vor.u32 $0xE, v1;
	_ =	sdelay $0x1  }
0x94: {  	s3 =	sadd.s32 $0x11680, s16;
	v2 =	vadd.f32 v3, v2  }
0x95: {  	s4 =	sor.u32 s17, s3  }
0x96: {  	[tilespmem:s4+$0x0] =	vst v2  }
0x97: {  	v2 =	vld.idx.msk [tilespmem:v49+s11+$0x0], $0xffff  }
0x98: {  	v3 =	vld.idx.msk [tilespmem:v49+s12+$0x0], $0xffff;
	_ =	sdelay $0x2  }
0x99: {  	v1 =	vor.u32 $0xF, v1;
	_ =	sdelay $0x1  }
0x9a: {  	s4 =	sadd.s32 $0x11700, s16;
	v2 =	vadd.f32 v3, v2  }
0x9b: {  	s18 =	sor.u32 s17, s4  }
0x9c: {  	[tilespmem:s18+$0x0] =	vst v2  }
0x9d: {  	v2 =	vld.idx.msk [tilespmem:v1+s11+$0x0], $0xffff  }
0x9e: {  	v1 =	vld.idx.msk [tilespmem:v1+s12+$0x0], $0xffff;
	_ =	sdelay $0x4  }
0x9f: {  	s16 =	sadd.s32 $0x11780, s16;
	v1 =	vadd.f32 v1, v2  }
0xa0: {  	s17 =	sor.u32 s17, s16  }
0xa1: {  	[tilespmem:s17+$0x0] =	vst v1  }
0xa2: {  	v1 =	vld [tilespmem:s21+$0x0];
	_ =	sdelay $0x2  }
0xa3: {  	s18 =	sadd.s32 $0x10, s22  }
0xa4: {  	v2 =	vmov s18  }
0xa5: {  	v2 =	vshll.u32 v2, $0x7;
	v1 =	vshll.u32 v1, $0x4  }
0xa6: {  	v2 =	vor.u32 v0, v2;
	v1 =	vand.u32 $0x70, v1  }
0xa7: {  	v1 =	vor.u32 v2, v1;
	_ =	sdelay $0x4  }
0xa8: {  	v2 =	vld.idx.msk [tilespmem:v1+s11+$0x0], $0xffff  }
0xa9: {  	v3 =	vld.idx.msk [tilespmem:v1+s12+$0x0], $0xffff;
	_ =	sdelay $0x2  }
0xaa: {  	v50 =	vor.u32 $0x1, v1;
	_ =	sdelay $0x1  }
0xab: {  	s17 =	sand.u32 $0x70, s18;
	v2 =	vadd.f32 v3, v2  }
0xac: {  	s26 =	sor.u32 s17, s26  }
0xad: {  	[tilespmem:s26+$0x0] =	vst v2  }
0xae: {  	v2 =	vld.idx.msk [tilespmem:v50+s11+$0x0], $0xffff  }
0xaf: {  	v3 =	vld.idx.msk [tilespmem:v50+s12+$0x0], $0xffff;
	_ =	sdelay $0x2  }
0xb0: {  	v51 =	vor.u32 $0x2, v1;
	_ =	sdelay $0x1  }
0xb1: {  	v2 =	vadd.f32 v3, v2;
	_ =	sdelay $0x1  }
0xb2: {  	[tilespmem:s26+$0x80] =	vst v2  }
0xb3: {  	v2 =	vld.idx.msk [tilespmem:v51+s11+$0x0], $0xffff  }
0xb4: {  	v3 =	vld.idx.msk [tilespmem:v51+s12+$0x0], $0xffff;
	_ =	sdelay $0x2  }
0xb5: {  	v52 =	vor.u32 $0x3, v1;
	_ =	sdelay $0x1  }
0xb6: {  	v2 =	vadd.f32 v3, v2;
	_ =	sdelay $0x1  }
0xb7: {  	[tilespmem:s26+$0x100] =	vst v2  }
0xb8: {  	v2 =	vld.idx.msk [tilespmem:v52+s11+$0x0], $0xffff  }
0xb9: {  	v3 =	vld.idx.msk [tilespmem:v52+s12+$0x0], $0xffff;
	_ =	sdelay $0x2  }
0xba: {  	v53 =	vor.u32 $0x4, v1;
	_ =	sdelay $0x1  }
0xbb: {  	v2 =	vadd.f32 v3, v2;
	_ =	sdelay $0x1  }
0xbc: {  	[tilespmem:s26+$0x180] =	vst v2  }
0xbd: {  	v2 =	vld.idx.msk [tilespmem:v53+s11+$0x0], $0xffff  }
0xbe: {  	v3 =	vld.idx.msk [tilespmem:v53+s12+$0x0], $0xffff;
	_ =	sdelay $0x2  }
0xbf: {  	v54 =	vor.u32 $0x5, v1;
	_ =	sdelay $0x1  }
0xc0: {  	v2 =	vadd.f32 v3, v2;
	_ =	sdelay $0x1  }
0xc1: {  	[tilespmem:s26+$0x200] =	vst v2  }
0xc2: {  	v2 =	vld.idx.msk [tilespmem:v54+s11+$0x0], $0xffff  }
0xc3: {  	v3 =	vld.idx.msk [tilespmem:v54+s12+$0x0], $0xffff;
	_ =	sdelay $0x2  }
0xc4: {  	v55 =	vor.u32 $0x6, v1;
	_ =	sdelay $0x1  }
0xc5: {  	v2 =	vadd.f32 v3, v2;
	_ =	sdelay $0x1  }
0xc6: {  	[tilespmem:s26+$0x280] =	vst v2  }
0xc7: {  	v2 =	vld.idx.msk [tilespmem:v55+s11+$0x0], $0xffff  }
0xc8: {  	v3 =	vld.idx.msk [tilespmem:v55+s12+$0x0], $0xffff;
	_ =	sdelay $0x1  }
0xc9: {  	s26 =	sand.u32 $0x7, s24  }
0xca: {  	v56 =	vor.u32 $0x7, v1;
	s26 =	sshll.u32 s26, $0x4  }
0xcb: {  	s26 =	sadd.s32 s25, s26  }
0xcc: {  	s26 =	sadd.s32 $0x10, s26;
	v2 =	vadd.f32 v3, v2  }
0xcd: {  	s26 =	sor.u32 $0x300, s26  }
0xce: {  	[tilespmem:s26+$0x10400] =	vst v2  }
0xcf: {  	v2 =	vld.idx.msk [tilespmem:v56+s11+$0x0], $0xffff  }
0xd0: {  	v3 =	vld.idx.msk [tilespmem:v56+s12+$0x0], $0xffff;
	_ =	sdelay $0x2  }
0xd1: {  	v57 =	vor.u32 $0x8, v1;
	_ =	sdelay $0x1  }
0xd2: {  	s18 =	sor.u32 s18, s25;
	v2 =	vadd.f32 v3, v2  }
0xd3: {  	s18 =	sor.u32 $0x380, s18  }
0xd4: {  	[tilespmem:s18+$0x10400] =	vst v2  }
0xd5: {  	v2 =	vld.idx.msk [tilespmem:v57+s11+$0x0], $0xffff  }
0xd6: {  	v3 =	vld.idx.msk [tilespmem:v57+s12+$0x0], $0xffff;
	_ =	sdelay $0x2  }
0xd7: {  	v58 =	vor.u32 $0x9, v1;
	_ =	sdelay $0x1  }
0xd8: {  	v2 =	vadd.f32 v3, v2  }
0xd9: {  	s28 =	sor.u32 s17, s28  }
0xda: {  	[tilespmem:s28+$0x0] =	vst v2  }
0xdb: {  	v2 =	vld.idx.msk [tilespmem:v58+s11+$0x0], $0xffff  }
0xdc: {  	v3 =	vld.idx.msk [tilespmem:v58+s12+$0x0], $0xffff;
	_ =	sdelay $0x2  }
0xdd: {  	v59 =	vor.u32 $0xA, v1;
	_ =	sdelay $0x1  }
0xde: {  	v2 =	vadd.f32 v3, v2  }
0xdf: {  	s29 =	sor.u32 s17, s29  }
0xe0: {  	[tilespmem:s29+$0x0] =	vst v2  }
0xe1: {  	v2 =	vld.idx.msk [tilespmem:v59+s11+$0x0], $0xffff  }
0xe2: {  	v3 =	vld.idx.msk [tilespmem:v59+s12+$0x0], $0xffff;
	_ =	sdelay $0x2  }
0xe3: {  	v60 =	vor.u32 $0xB, v1;
	_ =	sdelay $0x1  }
0xe4: {  	v2 =	vadd.f32 v3, v2  }
0xe5: {  	s26 =	sor.u32 s17, s30  }
0xe6: {  	[tilespmem:s26+$0x0] =	vst v2  }
0xe7: {  	v2 =	vld.idx.msk [tilespmem:v60+s11+$0x0], $0xffff  }
0xe8: {  	v3 =	vld.idx.msk [tilespmem:v60+s12+$0x0], $0xffff;
	_ =	sdelay $0x2  }
0xe9: {  	v61 =	vor.u32 $0xC, v1;
	_ =	sdelay $0x1  }
0xea: {  	v2 =	vadd.f32 v3, v2  }
0xeb: {  	s28 =	sor.u32 s17, s31  }
0xec: {  	[tilespmem:s28+$0x0] =	vst v2  }
0xed: {  	v2 =	vld.idx.msk [tilespmem:v61+s11+$0x0], $0xffff  }
0xee: {  	v3 =	vld.idx.msk [tilespmem:v61+s12+$0x0], $0xffff;
	_ =	sdelay $0x2  }
0xef: {  	v62 =	vor.u32 $0xD, v1;
	_ =	sdelay $0x1  }
0xf0: {  	v2 =	vadd.f32 v3, v2  }
0xf1: {  	s0 =	sor.u32 s17, s0  }
0xf2: {  	[tilespmem:s0+$0x0] =	vst v2  }
0xf3: {  	v2 =	vld.idx.msk [tilespmem:v62+s11+$0x0], $0xffff  }
0xf4: {  	v3 =	vld.idx.msk [tilespmem:v62+s12+$0x0], $0xffff;
	_ =	sdelay $0x2  }
0xf5: {  	v63 =	vor.u32 $0xE, v1;
	_ =	sdelay $0x1  }
0xf6: {  	v2 =	vadd.f32 v3, v2  }
0xf7: {  	s29 =	sor.u32 s17, s3  }
0xf8: {  	[tilespmem:s29+$0x0] =	vst v2  }
0xf9: {  	v2 =	vld.idx.msk [tilespmem:v63+s11+$0x0], $0xffff  }
0xfa: {  	v3 =	vld.idx.msk [tilespmem:v63+s12+$0x0], $0xffff;
	_ =	sdelay $0x2  }
0xfb: {  	v1 =	vor.u32 $0xF, v1;
	_ =	sdelay $0x1  }
0xfc: {  	v2 =	vadd.f32 v3, v2  }
0xfd: {  	s30 =	sor.u32 s17, s4  }
0xfe: {  	[tilespmem:s30+$0x0] =	vst v2  }
0xff: {  	v2 =	vld.idx.msk [tilespmem:v1+s11+$0x0], $0xffff  }
0x100: {  	v1 =	vld.idx.msk [tilespmem:v1+s12+$0x0], $0xffff  }
0x101: {  	s20 =	sadd.s32 $0x2, s20  }
0x102: {  	p0 =	slt.u32 s20, $0xE  }
.Ltmp0:
0x103: {  	_ = 	snop;
	(pc) =	sbr.rel @p0 .LBB2_2-.Ltmp0, $4  }
0x104: {  	_ = 	snop  }
0x105: {  	v1 =	vadd.f32 v1, v2  }
0x106: {  	s23 =	sadd.s32 $0x1, s23;
	s22 =	sadd.s32 $0x20, s22;
	s31 =	sor.u32 s17, s16  }
0x107: {  	s21 =	sadd.s32 $0x20, s21;
	s24 =	sadd.s32 $0x2, s24;
	s25 =	sadd.s32 $0x100, s25;
	[tilespmem:s31+$0x0] =	vst v1  }
0x108: {  	[tilespmem:s11], [sflag:$0x1] =	stream.indirect.gather [hbm4b:s1+s9], $0x80, s15, s9, $0xb8;
	[tilespmem:$0x12400] =	vst v63  }
0x109: {  	_ = 	snop  }
0x10a: {  	[tilespmem:s12], [sflag:$0x2] =	stream.indirect.gather [hbm4b:s2+s9], $0x80, s15, s9, $0xb8;
	[tilespmem:$0x12400] =	vst v63  }
0x10b: {  	_ =	swait.ge [sflag:s13], $0x8000  }
0x10c: {  	[sflag:s13] =	ssyncset.done $0x0  }
0x10d: {  	[sflag:s13] =	ssyncadd.s32 $0xFFFF8000  }
0x10e: {  	s20 =	simm.s32 $0xFFFFFFFE;
	_ =	swait.ge [sflag:s14], $0x8000  }
0x10f: {  	s21 =	simm.s32 $0x0;
	s22 =	simm.s32 $0x110;
	[sflag:s14] =	ssyncset.done $0x0  }
0x110: {  	s23 =	simm.s32 $0x880;
	s24 =	simm.s32 $0x0;
	[sflag:s14] =	ssyncadd.s32 $0xFFFF8000  }
.LBB2_4:
0x111: {  	s0 =	sadd.s32 $0x100, s24  }
0x112: {  	s3 =	sand.u32 $0x60, s24;
	s0 =	sand.u32 $0x180, s0  }
0x113: {  	s0 =	sor.u32 s3, s0  }
0x114: {  	v1 =	vld [tilespmem:s0+$0x0];
	_ =	sdelay $0x3  }
0x115: {  	v2 =	vmov s24  }
0x116: {  	v2 =	vshll.u32 v2, $0x7;
	v1 =	vshll.u32 v1, $0x4  }
0x117: {  	v2 =	vor.u32 v0, v2;
	v1 =	vand.u32 $0x70, v1  }
0x118: {  	v1 =	vor.u32 v2, v1;
	_ =	sdelay $0x4  }
0x119: {  	v2 =	vld.idx.msk [tilespmem:v1+s11+$0x0], $0xffff  }
0x11a: {  	v3 =	vld.idx.msk [tilespmem:v1+s12+$0x0], $0xffff;
	_ =	sdelay $0x2  }
0x11b: {  	v4 =	vor.u32 $0x1, v1  }
0x11c: {  	s4 =	sadd.s32 $0xFFFFFF80, s23  }
0x11d: {  	s18 =	sand.u32 $0xC00, s4;
	v2 =	vadd.f32 v3, v2  }
0x11e: {  	s0 =	sor.u32 s3, s18  }
0x11f: {  	[tilespmem:s0+$0x10400] =	vst v2  }
0x120: {  	v2 =	vld.idx.msk [tilespmem:v4+s11+$0x0], $0xffff  }
0x121: {  	v3 =	vld.idx.msk [tilespmem:v4+s12+$0x0], $0xffff;
	_ =	sdelay $0x2  }
0x122: {  	v37 =	vor.u32 $0x2, v1;
	_ =	sdelay $0x1  }
0x123: {  	v2 =	vadd.f32 v3, v2  }
0x124: {  	s3 =	sadd.s32 $0x10400, s0  }
0x125: {  	[tilespmem:s3+$0x80] =	vst v2  }
0x126: {  	v2 =	vld.idx.msk [tilespmem:v37+s11+$0x0], $0xffff  }
0x127: {  	v3 =	vld.idx.msk [tilespmem:v37+s12+$0x0], $0xffff;
	_ =	sdelay $0x2  }
0x128: {  	v38 =	vor.u32 $0x3, v1;
	_ =	sdelay $0x1  }
0x129: {  	v2 =	vadd.f32 v3, v2;
	_ =	sdelay $0x1  }
0x12a: {  	[tilespmem:s3+$0x100] =	vst v2  }
0x12b: {  	v2 =	vld.idx.msk [tilespmem:v38+s11+$0x0], $0xffff  }
0x12c: {  	v3 =	vld.idx.msk [tilespmem:v38+s12+$0x0], $0xffff;
	_ =	sdelay $0x2  }
0x12d: {  	v39 =	vor.u32 $0x4, v1;
	_ =	sdelay $0x1  }
0x12e: {  	v2 =	vadd.f32 v3, v2;
	_ =	sdelay $0x1  }
0x12f: {  	[tilespmem:s3+$0x180] =	vst v2  }
0x130: {  	v2 =	vld.idx.msk [tilespmem:v39+s11+$0x0], $0xffff  }
0x131: {  	v3 =	vld.idx.msk [tilespmem:v39+s12+$0x0], $0xffff;
	_ =	sdelay $0x2  }
0x132: {  	v40 =	vor.u32 $0x5, v1;
	_ =	sdelay $0x1  }
0x133: {  	v2 =	vadd.f32 v3, v2;
	_ =	sdelay $0x1  }
0x134: {  	[tilespmem:s3+$0x200] =	vst v2  }
0x135: {  	v2 =	vld.idx.msk [tilespmem:v40+s11+$0x0], $0xffff  }
0x136: {  	v3 =	vld.idx.msk [tilespmem:v40+s12+$0x0], $0xffff;
	_ =	sdelay $0x2  }
0x137: {  	v41 =	vor.u32 $0x6, v1;
	_ =	sdelay $0x1  }
0x138: {  	v2 =	vadd.f32 v3, v2;
	_ =	sdelay $0x1  }
0x139: {  	[tilespmem:s3+$0x280] =	vst v2  }
0x13a: {  	v2 =	vld.idx.msk [tilespmem:v41+s11+$0x0], $0xffff  }
0x13b: {  	v3 =	vld.idx.msk [tilespmem:v41+s12+$0x0], $0xffff;
	_ =	sdelay $0x2  }
0x13c: {  	s25 =	sand.u32 $0x3, s21;
	v42 =	vor.u32 $0x7, v1  }
0x13d: {  	s3 =	sshll.u32 s25, $0x5  }
0x13e: {  	s3 =	sadd.s32 s3, s4;
	v2 =	vadd.f32 v3, v2  }
0x13f: {  	s3 =	sor.u32 $0x300, s3  }
0x140: {  	[tilespmem:s3+$0x10400] =	vst v2  }
0x141: {  	v2 =	vld.idx.msk [tilespmem:v42+s11+$0x0], $0xffff  }
0x142: {  	v3 =	vld.idx.msk [tilespmem:v42+s12+$0x0], $0xffff;
	_ =	sdelay $0x2  }
0x143: {  	v43 =	vor.u32 $0x8, v1;
	_ =	sdelay $0x1  }
0x144: {  	s26 =	sor.u32 s4, s24;
	v2 =	vadd.f32 v3, v2  }
0x145: {  	s3 =	sor.u32 $0x380, s26  }
0x146: {  	[tilespmem:s3+$0x10400] =	vst v2  }
0x147: {  	v2 =	vld.idx.msk [tilespmem:v43+s11+$0x0], $0xffff  }
0x148: {  	v3 =	vld.idx.msk [tilespmem:v43+s12+$0x0], $0xffff;
	_ =	sdelay $0x2  }
0x149: {  	v44 =	vor.u32 $0x9, v1;
	_ =	sdelay $0x1  }
0x14a: {  	v2 =	vadd.f32 v3, v2;
	_ =	sdelay $0x1  }
0x14b: {  	[tilespmem:s0+$0x11400] =	vst v2  }
0x14c: {  	v2 =	vld.idx.msk [tilespmem:v44+s11+$0x0], $0xffff  }
0x14d: {  	v3 =	vld.idx.msk [tilespmem:v44+s12+$0x0], $0xffff;
	_ =	sdelay $0x2  }
0x14e: {  	v45 =	vor.u32 $0xA, v1;
	_ =	sdelay $0x1  }
0x14f: {  	v2 =	vadd.f32 v3, v2;
	_ =	sdelay $0x1  }
0x150: {  	[tilespmem:s0+$0x11480] =	vst v2  }
0x151: {  	v2 =	vld.idx.msk [tilespmem:v45+s11+$0x0], $0xffff  }
0x152: {  	v3 =	vld.idx.msk [tilespmem:v45+s12+$0x0], $0xffff;
	_ =	sdelay $0x2  }
0x153: {  	v46 =	vor.u32 $0xB, v1;
	_ =	sdelay $0x1  }
0x154: {  	v2 =	vadd.f32 v3, v2;
	_ =	sdelay $0x1  }
0x155: {  	[tilespmem:s0+$0x11500] =	vst v2  }
0x156: {  	v2 =	vld.idx.msk [tilespmem:v46+s11+$0x0], $0xffff  }
0x157: {  	v3 =	vld.idx.msk [tilespmem:v46+s12+$0x0], $0xffff;
	_ =	sdelay $0x2  }
0x158: {  	v47 =	vor.u32 $0xC, v1;
	_ =	sdelay $0x1  }
0x159: {  	v2 =	vadd.f32 v3, v2;
	_ =	sdelay $0x1  }
0x15a: {  	[tilespmem:s0+$0x11580] =	vst v2  }
0x15b: {  	v2 =	vld.idx.msk [tilespmem:v47+s11+$0x0], $0xffff  }
0x15c: {  	v3 =	vld.idx.msk [tilespmem:v47+s12+$0x0], $0xffff;
	_ =	sdelay $0x2  }
0x15d: {  	v48 =	vor.u32 $0xD, v1;
	_ =	sdelay $0x1  }
0x15e: {  	v2 =	vadd.f32 v3, v2;
	_ =	sdelay $0x1  }
0x15f: {  	[tilespmem:s0+$0x11600] =	vst v2  }
0x160: {  	v2 =	vld.idx.msk [tilespmem:v48+s11+$0x0], $0xffff  }
0x161: {  	v3 =	vld.idx.msk [tilespmem:v48+s12+$0x0], $0xffff;
	_ =	sdelay $0x2  }
0x162: {  	v49 =	vor.u32 $0xE, v1;
	_ =	sdelay $0x1  }
0x163: {  	v2 =	vadd.f32 v3, v2;
	_ =	sdelay $0x1  }
0x164: {  	[tilespmem:s0+$0x11680] =	vst v2  }
0x165: {  	v2 =	vld.idx.msk [tilespmem:v49+s11+$0x0], $0xffff  }
0x166: {  	v3 =	vld.idx.msk [tilespmem:v49+s12+$0x0], $0xffff;
	_ =	sdelay $0x2  }
0x167: {  	v1 =	vor.u32 $0xF, v1;
	_ =	sdelay $0x1  }
0x168: {  	v2 =	vadd.f32 v3, v2;
	_ =	sdelay $0x1  }
0x169: {  	[tilespmem:s0+$0x11700] =	vst v2  }
0x16a: {  	v2 =	vld.idx.msk [tilespmem:v1+s11+$0x0], $0xffff  }
0x16b: {  	v1 =	vld.idx.msk [tilespmem:v1+s12+$0x0], $0xffff;
	_ =	sdelay $0x4  }
0x16c: {  	v1 =	vadd.f32 v1, v2;
	_ =	sdelay $0x1  }
0x16d: {  	[tilespmem:s0+$0x11780] =	vst v1  }
0x16e: {  	v1 =	vld [tilespmem:s22+$0x0];
	_ =	sdelay $0x2  }
0x16f: {  	s28 =	sadd.s32 $0x10, s24  }
0x170: {  	v2 =	vmov s28  }
0x171: {  	v2 =	vshll.u32 v2, $0x7;
	v1 =	vshll.u32 v1, $0x4  }
0x172: {  	v2 =	vor.u32 v0, v2;
	v1 =	vand.u32 $0x70, v1  }
0x173: {  	v1 =	vor.u32 v2, v1;
	_ =	sdelay $0x4  }
0x174: {  	v2 =	vld.idx.msk [tilespmem:v1+s11+$0x0], $0xffff  }
0x175: {  	v3 =	vld.idx.msk [tilespmem:v1+s12+$0x0], $0xffff;
	_ =	sdelay $0x2  }
0x176: {  	v50 =	vor.u32 $0x1, v1  }
0x177: {  	s29 =	sadd.s32 $0x110, s24  }
0x178: {  	s30 =	sand.u32 $0xC00, s23;
	s0 =	sand.u32 $0x70, s29;
	v2 =	vadd.f32 v3, v2  }
0x179: {  	s0 =	sor.u32 s0, s30  }
0x17a: {  	[tilespmem:s0+$0x10400] =	vst v2  }
0x17b: {  	v2 =	vld.idx.msk [tilespmem:v50+s11+$0x0], $0xffff  }
0x17c: {  	v3 =	vld.idx.msk [tilespmem:v50+s12+$0x0], $0xffff;
	_ =	sdelay $0x2  }
0x17d: {  	v51 =	vor.u32 $0x2, v1;
	_ =	sdelay $0x1  }
0x17e: {  	v2 =	vadd.f32 v3, v2  }
0x17f: {  	s3 =	sadd.s32 $0x10400, s0  }
0x180: {  	[tilespmem:s3+$0x80] =	vst v2  }
0x181: {  	v2 =	vld.idx.msk [tilespmem:v51+s11+$0x0], $0xffff  }
0x182: {  	v3 =	vld.idx.msk [tilespmem:v51+s12+$0x0], $0xffff;
	_ =	sdelay $0x2  }
0x183: {  	v52 =	vor.u32 $0x3, v1;
	_ =	sdelay $0x1  }
0x184: {  	v2 =	vadd.f32 v3, v2;
	_ =	sdelay $0x1  }
0x185: {  	[tilespmem:s3+$0x100] =	vst v2  }
0x186: {  	v2 =	vld.idx.msk [tilespmem:v52+s11+$0x0], $0xffff  }
0x187: {  	v3 =	vld.idx.msk [tilespmem:v52+s12+$0x0], $0xffff;
	_ =	sdelay $0x2  }
0x188: {  	v53 =	vor.u32 $0x4, v1;
	_ =	sdelay $0x1  }
0x189: {  	v2 =	vadd.f32 v3, v2;
	_ =	sdelay $0x1  }
0x18a: {  	[tilespmem:s3+$0x180] =	vst v2  }
0x18b: {  	v2 =	vld.idx.msk [tilespmem:v53+s11+$0x0], $0xffff  }
0x18c: {  	v3 =	vld.idx.msk [tilespmem:v53+s12+$0x0], $0xffff;
	_ =	sdelay $0x2  }
0x18d: {  	v54 =	vor.u32 $0x5, v1;
	_ =	sdelay $0x1  }
0x18e: {  	v2 =	vadd.f32 v3, v2;
	_ =	sdelay $0x1  }
0x18f: {  	[tilespmem:s3+$0x200] =	vst v2  }
0x190: {  	v2 =	vld.idx.msk [tilespmem:v54+s11+$0x0], $0xffff  }
0x191: {  	v3 =	vld.idx.msk [tilespmem:v54+s12+$0x0], $0xffff;
	_ =	sdelay $0x2  }
0x192: {  	v55 =	vor.u32 $0x6, v1;
	_ =	sdelay $0x1  }
0x193: {  	v2 =	vadd.f32 v3, v2;
	_ =	sdelay $0x1  }
0x194: {  	[tilespmem:s3+$0x280] =	vst v2  }
0x195: {  	v2 =	vld.idx.msk [tilespmem:v55+s11+$0x0], $0xffff  }
0x196: {  	v3 =	vld.idx.msk [tilespmem:v55+s12+$0x0], $0xffff;
	_ =	sdelay $0x2  }
0x197: {  	v56 =	vor.u32 $0x7, v1;
	_ =	sdelay $0x1  }
0x198: {  	v2 =	vadd.f32 v3, v2;
	_ =	sdelay $0x1  }
0x199: {  	[tilespmem:s3+$0x300] =	vst v2  }
0x19a: {  	v2 =	vld.idx.msk [tilespmem:v56+s11+$0x0], $0xffff  }
0x19b: {  	v3 =	vld.idx.msk [tilespmem:v56+s12+$0x0], $0xffff;
	_ =	sdelay $0x2  }
0x19c: {  	v57 =	vor.u32 $0x8, v1;
	_ =	sdelay $0x1  }
0x19d: {  	s31 =	sor.u32 s23, s24;
	v2 =	vadd.f32 v3, v2  }
0x19e: {  	s3 =	sor.u32 $0x310, s31  }
0x19f: {  	[tilespmem:s3+$0x10400] =	vst v2  }
0x1a0: {  	v2 =	vld.idx.msk [tilespmem:v57+s11+$0x0], $0xffff  }
0x1a1: {  	v3 =	vld.idx.msk [tilespmem:v57+s12+$0x0], $0xffff;
	_ =	sdelay $0x2  }
0x1a2: {  	v58 =	vor.u32 $0x9, v1;
	_ =	sdelay $0x1  }
0x1a3: {  	v2 =	vadd.f32 v3, v2;
	_ =	sdelay $0x1  }
0x1a4: {  	[tilespmem:s0+$0x11400] =	vst v2  }
0x1a5: {  	v2 =	vld.idx.msk [tilespmem:v58+s11+$0x0], $0xffff  }
0x1a6: {  	v3 =	vld.idx.msk [tilespmem:v58+s12+$0x0], $0xffff;
	_ =	sdelay $0x2  }
0x1a7: {  	v59 =	vor.u32 $0xA, v1;
	_ =	sdelay $0x1  }
0x1a8: {  	v2 =	vadd.f32 v3, v2;
	_ =	sdelay $0x1  }
0x1a9: {  	[tilespmem:s0+$0x11480] =	vst v2  }
0x1aa: {  	v2 =	vld.idx.msk [tilespmem:v59+s11+$0x0], $0xffff  }
0x1ab: {  	v3 =	vld.idx.msk [tilespmem:v59+s12+$0x0], $0xffff;
	_ =	sdelay $0x2  }
0x1ac: {  	v60 =	vor.u32 $0xB, v1;
	_ =	sdelay $0x1  }
0x1ad: {  	v2 =	vadd.f32 v3, v2;
	_ =	sdelay $0x1  }
0x1ae: {  	[tilespmem:s0+$0x11500] =	vst v2  }
0x1af: {  	v2 =	vld.idx.msk [tilespmem:v60+s11+$0x0], $0xffff  }
0x1b0: {  	v3 =	vld.idx.msk [tilespmem:v60+s12+$0x0], $0xffff;
	_ =	sdelay $0x2  }
0x1b1: {  	v61 =	vor.u32 $0xC, v1;
	_ =	sdelay $0x1  }
0x1b2: {  	v2 =	vadd.f32 v3, v2;
	_ =	sdelay $0x1  }
0x1b3: {  	[tilespmem:s0+$0x11580] =	vst v2  }
0x1b4: {  	v2 =	vld.idx.msk [tilespmem:v61+s11+$0x0], $0xffff  }
0x1b5: {  	v3 =	vld.idx.msk [tilespmem:v61+s12+$0x0], $0xffff;
	_ =	sdelay $0x2  }
0x1b6: {  	v62 =	vor.u32 $0xD, v1;
	_ =	sdelay $0x1  }
0x1b7: {  	v2 =	vadd.f32 v3, v2;
	_ =	sdelay $0x1  }
0x1b8: {  	[tilespmem:s0+$0x11600] =	vst v2  }
0x1b9: {  	v2 =	vld.idx.msk [tilespmem:v62+s11+$0x0], $0xffff  }
0x1ba: {  	v3 =	vld.idx.msk [tilespmem:v62+s12+$0x0], $0xffff;
	_ =	sdelay $0x2  }
0x1bb: {  	v63 =	vor.u32 $0xE, v1;
	_ =	sdelay $0x1  }
0x1bc: {  	v2 =	vadd.f32 v3, v2;
	_ =	sdelay $0x1  }
0x1bd: {  	[tilespmem:s0+$0x11680] =	vst v2  }
0x1be: {  	v2 =	vld.idx.msk [tilespmem:v63+s11+$0x0], $0xffff  }
0x1bf: {  	v3 =	vld.idx.msk [tilespmem:v63+s12+$0x0], $0xffff;
	_ =	sdelay $0x2  }
0x1c0: {  	v1 =	vor.u32 $0xF, v1;
	_ =	sdelay $0x1  }
0x1c1: {  	v2 =	vadd.f32 v3, v2;
	_ =	sdelay $0x1  }
0x1c2: {  	[tilespmem:s0+$0x11700] =	vst v2  }
0x1c3: {  	v2 =	vld.idx.msk [tilespmem:v1+s11+$0x0], $0xffff  }
0x1c4: {  	v1 =	vld.idx.msk [tilespmem:v1+s12+$0x0], $0xffff  }
0x1c5: {  	s20 =	sadd.s32 $0x2, s20  }
0x1c6: {  	p0 =	slt.u32 s20, $0xE  }
.Ltmp1:
0x1c7: {  	_ = 	snop;
	(pc) =	sbr.rel @p0 .LBB2_4-.Ltmp1, $4  }
0x1c8: {  	_ = 	snop  }
0x1c9: {  	v1 =	vadd.f32 v1, v2  }
0x1ca: {  	s23 =	sadd.s32 $0x100, s23  }
0x1cb: {  	s21 =	sadd.s32 $0x1, s21;
	s24 =	sadd.s32 $0x20, s24;
	s22 =	sadd.s32 $0x20, s22;
	[tilespmem:s0+$0x11780] =	vst v1  }
0x1cc: {  	s19 =	sadd.s32 $0x1, s19  }
0x1cd: {  	s0 =	simm.s32 $0x1000;
	p0 =	sne.s32 s19, s7  }
.Ltmp2:
0x1ce: {  	s3 =	simm.s32 $0x20000;
	s4 =	simm.s32 $0x10400;
	(pc) =	sbr.rel @p0 .LBB2_1-.Ltmp2, $4  }
0x1cf: {  	[hbm4b:s6+s0] =	stream.strided.scatter [tilespmem:s4], [sflag:$0x3], $0x2000, s3, s0, $0x38;
	[tilespmem:$0x12400] =	vst v63  }
0x1d0: {  	_ =	swait.ge [sflag:s8], $0x2000  }
0x1d1: {  	[sflag:s8] =	ssyncset.done $0x0  }
0x1d2: {  	[sflag:s8] =	ssyncadd.s32 $0xFFFFE000  }
0x1d3: {  	_ =	sfence.sel $0x180000  }
0x1d4: {  	[bflag:$0x0] =	sbarrier.arrive $0xFFFF  }
0x1d5: {  	_ =	strace $0x90000047  }
0x1d6: {  	s0 =	stileid.u32;
	[bflag:$0x2] =	sbarrier.arrive $0xFFFF  }
0x1d7: {  	p0 =	sne.s32 s0, $0x0;
	s0 =	rddreg [dreg:$0x4]  }
0x1d8: {  	s0 =	sadd.s32 @!p0 $0x100000, s0  }
0x1d9: {  	[sflag:s0] =	ssyncadd.tile.s32 @!p0 $0x1;
	_ =	shalt  }
.Lfunc_end2:
_tile_overlayer_lowered:
.L_overlay_start_2:
0x1da: {  	(tag) =	ssettag $0x2  }
0x1db: {  	s0 =	rddreg [dreg:$0x0];
	s2 =	stileid.u32  }
0x1dc: {  	s1 =	rddreg [dreg:$0x1];
	p0 =	sne.s32 s2, $0x0  }
0x1dd: {  	s3 =	rddreg [dreg:$0x2];
	[bflag:$0x3] =	sbarrier.arrive $0xFFFF;
	s2 =	simm.s32 @!p0 $0x1C03  }
0x1de: {  	[timem:s3], [sflag:s2] =	dma.local @!p0 [hbm:s0], s1  }
0x1df: {  	s0 =	simm.s32 @!p0 $0x3  }
0x1e0: {  	_ =	swait.ge @!p0 [sflag:s0], s1  }
0x1e1: {  	s1 =	ssub.s32 @!p0 $0x0, s1;
	[sflag:s0] =	ssyncset.done @!p0 $0x0  }
0x1e2: {  	[sflag:s0] =	ssyncadd.s32 @!p0 s1  }
0x1e3: {  	[bflag:$0x3] =	sbarrier.arrive $0xFFFF  }
0x1e4: {  	_ =	shalt  }

</sc_bundles>
